<compile_context>
chip_gen: v7x
topology: tpu7x:2x2x1
jax: 0.10.2.dev20260603
libtpu: 0.0.44.dev20260713+nightly
codegen_flags: <defaults>
</compile_context>

<pallas_src>
import functools

import jax
import jax.numpy as jnp
from jax import lax
from jax.experimental import pallas as pl
from jax.experimental.pallas import tpu as pltpu
from jax.experimental.pallas import tpu_sc as plsc

_NUM_COLORS = 256
_B, _H, _W = 16, 512, 512

_NC = 2
_NS = 16
_NW = _NC * _NS
_LANES = 16

_ROWS_PER_W = _H // 2
_CROWS = 16
_CHUNK = _CROWS * _W
_NCHUNK = _ROWS_PER_W // _CROWS
_NVEC = _CHUNK // _LANES
_VPR = _W // _LANES
_UNROLL = 8


def _make_sc_call():
    mesh = plsc.VectorSubcoreMesh(core_axis_name="c", subcore_axis_name="s")

    chunk_i32 = pltpu.VMEM((_CROWS, _W), jnp.int32)
    chunk3_f32 = pltpu.VMEM((3, _CROWS, _W), jnp.float32)

    @functools.partial(
        pl.kernel,
        mesh=mesh,
        out_type=jax.ShapeDtypeStruct((_B, 3, _H, _W), jnp.float32),
        scratch_types=[
            pltpu.VMEM((3, _NUM_COLORS), jnp.float32),
            pltpu.VMEM((3 * _NUM_COLORS,), jnp.float32),
            chunk_i32, chunk_i32,
            chunk3_f32, chunk3_f32,
            pltpu.SemaphoreType.DMA,
            pltpu.SemaphoreType.DMA,
            pltpu.SemaphoreType.DMA,
        ],
        compiler_params=pltpu.CompilerParams(needs_layout_passes=False),
    )
    def sc_kernel(x_hbm, tbl_hbm, out_hbm, tbl2d, tbl, inb0, inb1,
                  ob0, ob1, insem, osem0, osem1):
        inbufs = (inb0, inb1)
        outbufs = (ob0, ob1)
        osems = (osem0, osem1)
        wid = lax.axis_index("s") * _NC + lax.axis_index("c")
        img = wid // 2
        half = wid % 2
        row_base = half * _ROWS_PER_W

        def in_src(k):
            return x_hbm.at[img, 0, pl.ds(row_base + k * _CROWS, _CROWS), :]

        def out_dst(k):
            return out_hbm.at[img, :, pl.ds(row_base + k * _CROWS, _CROWS), :]

        def compute(slot):
            inb = inbufs[slot]
            outb = outbufs[slot]

            @plsc.parallel_loop(0, _NVEC, 1, unroll=_UNROLL)
            def _body(i):
                r = i // _VPR
                col = (i % _VPR) * _LANES
                v = inb[r, pl.ds(col, _LANES)]
                v = jnp.minimum(jnp.maximum(v, 0), _NUM_COLORS - 1)
                for c in range(3):
                    outb[c, r, pl.ds(col, _LANES)] = plsc.load_gather(
                        tbl, [v + (c * _NUM_COLORS)]
                    )

        pltpu.async_copy(in_src(0), inbufs[0], insem)
        pltpu.async_copy(in_src(1), inbufs[1], insem)
        pltpu.sync_copy(tbl_hbm, tbl2d)
        for c in range(3):
            for j in range(_NUM_COLORS // _LANES):
                tbl[pl.ds(c * _NUM_COLORS + j * _LANES, _LANES)] = (
                    tbl2d[c, pl.ds(j * _LANES, _LANES)]
                )

        @pl.loop(0, _NCHUNK, step=2)
        def _chunks(k):
            for slot in range(2):
                kk = k + slot
                pltpu.make_async_copy(in_src(kk), inbufs[slot], insem).wait()

                @pl.when(kk >= 2)
                def _():
                    pltpu.make_async_copy(
                        outbufs[slot], out_dst(kk - 2), osems[slot]
                    ).wait()

                compute(slot)

                @pl.when(kk + 2 < _NCHUNK)
                def _():
                    pltpu.async_copy(in_src(kk + 2), inbufs[slot], insem)

                pltpu.async_copy(outbufs[slot], out_dst(kk), osems[slot])

        pltpu.make_async_copy(outbufs[0], out_dst(_NCHUNK - 2), osems[0]).wait()
        pltpu.make_async_copy(outbufs[1], out_dst(_NCHUNK - 1), osems[1]).wait()

    return sc_kernel


_SC_CALL = _make_sc_call()


@jax.jit
def kernel(input_tensor, colors):
    return _SC_CALL(input_tensor, colors)

# --- scband reference (transcript-rebuilt; emitter-appended) ---
"""Pipeline reference for scband-apply-color-map-12859132084440 (READ-ONLY COPY).

The authoritative reference and input builder live on the scoring server;
editing this copy changes nothing except your own understanding.
"""

import jax, jax.numpy as jnp
import numpy as np

NUM_COLORS = 256
BATCH, H, W = 16, 512, 512


def _build_colormap():
    # base colormap AUTUMN: red -> yellow, as [3, 2] (channels x stops)
    base = jnp.array([[1.0, 0.0, 0.0], [1.0, 1.0, 0.0]], dtype=jnp.float32).T
    src_len = base.shape[1]
    # mimic torch.nn.functional.interpolate(mode='linear', align_corners=False)
    pos = (jnp.arange(NUM_COLORS, dtype=jnp.float32) + 0.5) * src_len / NUM_COLORS - 0.5
    pos = jnp.clip(pos, 0.0, src_len - 1)
    lo = jnp.floor(pos).astype(jnp.int32)
    hi = jnp.clip(lo + 1, 0, src_len - 1)
    w = (pos - lo.astype(jnp.float32))
    colors = base[:, lo] * (1.0 - w)[None, :] + base[:, hi] * w[None, :]
    return colors  # [3, NUM_COLORS]


def setup_inputs(seed: int = 0) -> dict:
    key = jax.random.key(seed)
    input_tensor = jax.random.randint(key, (BATCH, 1, H, W), 0, 256, dtype=jnp.int32)
    colors = _build_colormap()
    return {"input_tensor": input_tensor, "colors": colors}


def reference(input_tensor, colors):
    # KORNIA_CHECK_IS_GRAY + squeeze channel dim: [B,1,H,W] -> [B,H,W]
    x = input_tensor[:, 0, :, :]
    # keys = arange(0, len(colormap)-1); torch.bucketize(right=False) == searchsorted side='left'
    keys = jnp.arange(0, NUM_COLORS - 1, dtype=x.dtype)
    index = jnp.searchsorted(keys, x, side="left")
    # colormap gather: colors[:, index] -> [3, B, H, W]
    output = colors[:, index]
    # permute(1, 0, -2, -1) -> [B, 3, H, W]
    output = jnp.transpose(output, (1, 0, 2, 3))
    return output

if __name__ == "__main__":
    import jax
    _d = setup_inputs()
    print(jax.jit(kernel)(*tuple(_d.values())))

</pallas_src>

<mosaic_0001>
#map = affine_map<(d0, d1) -> (0, 0, 0, 0)>
#map1 = affine_map<(d0, d1) -> (0, 0)>
module attributes {stable_mosaic.version = 14 : i64} {
  func.func @sc_kernel(%arg0: i32, %arg1: i32, %arg2: memref<16x1x512x512xi32, #tpu.memory_space<hbm>>, %arg3: memref<3x256xf32, #tpu.memory_space<hbm>>, %arg4: memref<16x3x512x512xf32, #tpu.memory_space<hbm>>, %arg5: memref<3x256xf32, #tpu.memory_space<vmem>>, %arg6: memref<768xf32, #tpu.memory_space<vmem>>, %arg7: memref<16x512xi32, #tpu.memory_space<vmem>>, %arg8: memref<16x512xi32, #tpu.memory_space<vmem>>, %arg9: memref<3x16x512xf32, #tpu.memory_space<vmem>>, %arg10: memref<3x16x512xf32, #tpu.memory_space<vmem>>, %arg11: memref<!tpu.dma_semaphore, #tpu.memory_space<semaphore_mem>>, %arg12: memref<!tpu.dma_semaphore, #tpu.memory_space<semaphore_mem>>, %arg13: memref<!tpu.dma_semaphore, #tpu.memory_space<semaphore_mem>>) attributes {dimension_semantics = [#tpu.dimension_semantics<core_parallel>, #tpu.dimension_semantics<subcore_parallel>], iteration_bounds = array<i64: 2, 16>, scalar_prefetch = 0 : i64, scratch_operands = 9 : i64, tpu.core_type = #tpu.core_type<sc_vector_subcore>, window_params = [{transform_indices = #map}, {transform_indices = #map1}, {transform_indices = #map}]} {
    %mul3A = arith.constant 2 : i32
    %mul3A_0 = arith.muli %arg1, %mul3A : i32
    %add3A = arith.addi %mul3A_0, %arg0 : i32
    %jit3A = arith.constant 2 : i32
    %div3A = arith.divsi %add3A, %jit3A : i32
    %sign3A = arith.constant 0 : i32
    %sign3A_1 = arith.cmpi sgt, %add3A, %sign3A : i32
    %sign3A_2 = arith.extui %sign3A_1 : i1 to i32
    %sign3A_3 = arith.constant 0 : i32
    %sign3A_4 = arith.cmpi slt, %add3A, %sign3A_3 : i32
    %sign3A_5 = arith.extui %sign3A_4 : i1 to i32
    %sign3A_6 = arith.subi %sign3A_2, %sign3A_5 : i32
    %sign3A_7 = arith.constant 0 : i32
    %sign3A_8 = arith.cmpi sgt, %jit3A, %sign3A_7 : i32
    %sign3A_9 = arith.extui %sign3A_8 : i1 to i32
    %sign3A_10 = arith.constant 0 : i32
    %sign3A_11 = arith.cmpi slt, %jit3A, %sign3A_10 : i32
    %sign3A_12 = arith.extui %sign3A_11 : i1 to i32
    %sign3A_13 = arith.subi %sign3A_9, %sign3A_12 : i32
    %ne3A = arith.cmpi ne, %sign3A_6, %sign3A_13 : i32
    %rem3A = arith.remsi %add3A, %jit3A : i32
    %ne3A_14 = arith.constant 0 : i32
    %ne3A_15 = arith.cmpi ne, %rem3A, %ne3A_14 : i32
    %and3A = arith.andi %ne3A, %ne3A_15 : i1
    %sub3A = arith.constant 1 : i32
    %sub3A_16 = arith.subi %div3A, %sub3A : i32
    %select_n3A = arith.select %and3A, %sub3A_16, %div3A : i32
    %jit3A_17 = arith.constant 2 : i32
    %eq3A = arith.constant 0 : i32
    %eq3A_18 = arith.cmpi eq, %jit3A_17, %eq3A : i32
    %jit3A_19 = arith.constant 1 : i32
    %select_n3A_20 = arith.select %eq3A_18, %jit3A_19, %jit3A_17 : i32
    %rem3A_21 = arith.remsi %add3A, %select_n3A_20 : i32
    %ne3A_22 = arith.constant 0 : i32
    %ne3A_23 = arith.cmpi ne, %rem3A_21, %ne3A_22 : i32
    %lt3A = arith.constant 0 : i32
    %lt3A_24 = arith.cmpi slt, %rem3A_21, %lt3A : i32
    %lt3A_25 = arith.constant 0 : i32
    %lt3A_26 = arith.cmpi slt, %select_n3A_20, %lt3A_25 : i32
    %ne3A_27 = arith.xori %lt3A_24, %lt3A_26 : i1
    %and3A_28 = arith.andi %ne3A_27, %ne3A_23 : i1
    %add3A_29 = arith.addi %rem3A_21, %select_n3A_20 : i32
    %select_n3A_30 = arith.select %and3A_28, %add3A_29, %rem3A_21 : i32
    %mul3A_31 = arith.constant 256 : i32
    %mul3A_32 = arith.muli %select_n3A_30, %mul3A_31 : i32
    %add3A_33 = arith.constant 0 : i32
    %add3A_34 = arith.addi %mul3A_32, %add3A_33 : i32
    %dma_start3A = arith.constant 0 : i32
    %dma_start3A_35 = arith.constant 0 : i32
    %dma_start3A_36 = tpu.memref_slice %arg2[%select_n3A, %dma_start3A, %add3A_34, %dma_start3A_35] : memref<16x1x512x512xi32, #tpu.memory_space<hbm>> -> memref<1x1x16x512xi32, #tpu.memory_space<hbm>>
    %dma_start3A_37 = tpu.memref_squeeze %dma_start3A_36 : memref<1x1x16x512xi32, #tpu.memory_space<hbm>> -> memref<16x512xi32, #tpu.memory_space<hbm>>
    %dma_start3A_38 = arith.constant 0 : i32
    %dma_start3A_39 = tpu.memref_slice %arg2[%select_n3A, %dma_start3A, %add3A_34, %dma_start3A_38] : memref<16x1x512x512xi32, #tpu.memory_space<hbm>> -> memref<1x1x16x512xi32, #tpu.memory_space<hbm>>
    %dma_start3A_40 = tpu.memref_squeeze %dma_start3A_39 : memref<1x1x16x512xi32, #tpu.memory_space<hbm>> -> memref<16x512xi32, #tpu.memory_space<hbm>>
    tpu.enqueue_dma source(%dma_start3A_40 : memref<16x512xi32, #tpu.memory_space<hbm>>) target(%arg7 : memref<16x512xi32, #tpu.memory_space<vmem>>) target_semaphore(%arg11 : memref<!tpu.dma_semaphore, #tpu.memory_space<semaphore_mem>>)
    %add3A_41 = arith.constant 16 : i32
    %add3A_42 = arith.addi %mul3A_32, %add3A_41 : i32
    %dma_start3A_43 = arith.constant 0 : i32
    %dma_start3A_44 = arith.constant 0 : i32
    %dma_start3A_45 = tpu.memref_slice %arg2[%select_n3A, %dma_start3A_43, %add3A_42, %dma_start3A_44] : memref<16x1x512x512xi32, #tpu.memory_space<hbm>> -> memref<1x1x16x512xi32, #tpu.memory_space<hbm>>
    %dma_start3A_46 = tpu.memref_squeeze %dma_start3A_45 : memref<1x1x16x512xi32, #tpu.memory_space<hbm>> -> memref<16x512xi32, #tpu.memory_space<hbm>>
    %dma_start3A_47 = arith.constant 0 : i32
    %dma_start3A_48 = tpu.memref_slice %arg2[%select_n3A, %dma_start3A_43, %add3A_42, %dma_start3A_47] : memref<16x1x512x512xi32, #tpu.memory_space<hbm>> -> memref<1x1x16x512xi32, #tpu.memory_space<hbm>>
    %dma_start3A_49 = tpu.memref_squeeze %dma_start3A_48 : memref<1x1x16x512xi32, #tpu.memory_space<hbm>> -> memref<16x512xi32, #tpu.memory_space<hbm>>
    tpu.enqueue_dma source(%dma_start3A_49 : memref<16x512xi32, #tpu.memory_space<hbm>>) target(%arg8 : memref<16x512xi32, #tpu.memory_space<vmem>>) target_semaphore(%arg11 : memref<!tpu.dma_semaphore, #tpu.memory_space<semaphore_mem>>)
    "tpu.region"() ({
      %run_scoped3A = tpu.sem_alloc : memref<!tpu.dma_semaphore, #tpu.memory_space<semaphore_mem>>
      tpu.enqueue_dma source(%arg3 : memref<3x256xf32, #tpu.memory_space<hbm>>) target(%arg5 : memref<3x256xf32, #tpu.memory_space<vmem>>) target_semaphore(%run_scoped3A : memref<!tpu.dma_semaphore, #tpu.memory_space<semaphore_mem>>)
      tpu.wait_dma2 semaphore(%run_scoped3A : memref<!tpu.dma_semaphore, #tpu.memory_space<semaphore_mem>>) src(%arg3 : memref<3x256xf32, #tpu.memory_space<hbm>>) dst(%arg5 : memref<3x256xf32, #tpu.memory_space<vmem>>)
      tpu.yield
    }) : () -> ()
    %get3A = arith.constant 0 : i32
    %get3A_50 = arith.index_cast %get3A : i32 to index
    %get3A_51 = arith.constant 0 : index
    %get3A_52 = tpu.vector_load %arg5[%get3A_50, %get3A_51] {strides = array<i32>} : memref<3x256xf32, #tpu.memory_space<vmem>>, vector<16xf32>,
    %swap3A = arith.constant 0 : index
    %swap3A_53 = tpu.vector_load %arg6[%swap3A] {strides = array<i32>} : memref<768xf32, #tpu.memory_space<vmem>>, vector<16xf32>,
    tpu.vector_store %arg6[%swap3A], %get3A_52 {strides = array<i32>} : memref<768xf32, #tpu.memory_space<vmem>>, vector<16xf32>,
    %get3A_54 = arith.constant 0 : i32
    %get3A_55 = arith.index_cast %get3A_54 : i32 to index
    %get3A_56 = arith.constant 16 : index
    %get3A_57 = tpu.vector_load %arg5[%get3A_55, %get3A_56] {strides = array<i32>} : memref<3x256xf32, #tpu.memory_space<vmem>>, vector<16xf32>,
    %swap3A_58 = arith.constant 16 : index
    %swap3A_59 = tpu.vector_load %arg6[%swap3A_58] {strides = array<i32>} : memref<768xf32, #tpu.memory_space<vmem>>, vector<16xf32>,
    tpu.vector_store %arg6[%swap3A_58], %get3A_57 {strides = array<i32>} : memref<768xf32, #tpu.memory_space<vmem>>, vector<16xf32>,
    %get3A_60 = arith.constant 0 : i32
    %get3A_61 = arith.index_cast %get3A_60 : i32 to index
    %get3A_62 = arith.constant 32 : index
    %get3A_63 = tpu.vector_load %arg5[%get3A_61, %get3A_62] {strides = array<i32>} : memref<3x256xf32, #tpu.memory_space<vmem>>, vector<16xf32>,
    %swap3A_64 = arith.constant 32 : index
    %swap3A_65 = tpu.vector_load %arg6[%swap3A_64] {strides = array<i32>} : memref<768xf32, #tpu.memory_space<vmem>>, vector<16xf32>,
    tpu.vector_store %arg6[%swap3A_64], %get3A_63 {strides = array<i32>} : memref<768xf32, #tpu.memory_space<vmem>>, vector<16xf32>,
    %get3A_66 = arith.constant 0 : i32
    %get3A_67 = arith.index_cast %get3A_66 : i32 to index
    %get3A_68 = arith.constant 48 : index
    %get3A_69 = tpu.vector_load %arg5[%get3A_67, %get3A_68] {strides = array<i32>} : memref<3x256xf32, #tpu.memory_space<vmem>>, vector<16xf32>,
    %swap3A_70 = arith.constant 48 : index
    %swap3A_71 = tpu.vector_load %arg6[%swap3A_70] {strides = array<i32>} : memref<768xf32, #tpu.memory_space<vmem>>, vector<16xf32>,
    tpu.vector_store %arg6[%swap3A_70], %get3A_69 {strides = array<i32>} : memref<768xf32, #tpu.memory_space<vmem>>, vector<16xf32>,
    %get3A_72 = arith.constant 0 : i32
    %get3A_73 = arith.index_cast %get3A_72 : i32 to index
    %get3A_74 = arith.constant 64 : index
    %get3A_75 = tpu.vector_load %arg5[%get3A_73, %get3A_74] {strides = array<i32>} : memref<3x256xf32, #tpu.memory_space<vmem>>, vector<16xf32>,
    %swap3A_76 = arith.constant 64 : index
    %swap3A_77 = tpu.vector_load %arg6[%swap3A_76] {strides = array<i32>} : memref<768xf32, #tpu.memory_space<vmem>>, vector<16xf32>,
    tpu.vector_store %arg6[%swap3A_76], %get3A_75 {strides = array<i32>} : memref<768xf32, #tpu.memory_space<vmem>>, vector<16xf32>,
    %get3A_78 = arith.constant 0 : i32
    %get3A_79 = arith.index_cast %get3A_78 : i32 to index
    %get3A_80 = arith.constant 80 : index
    %get3A_81 = tpu.vector_load %arg5[%get3A_79, %get3A_80] {strides = array<i32>} : memref<3x256xf32, #tpu.memory_space<vmem>>, vector<16xf32>,
    %swap3A_82 = arith.constant 80 : index
    %swap3A_83 = tpu.vector_load %arg6[%swap3A_82] {strides = array<i32>} : memref<768xf32, #tpu.memory_space<vmem>>, vector<16xf32>,
    tpu.vector_store %arg6[%swap3A_82], %get3A_81 {strides = array<i32>} : memref<768xf32, #tpu.memory_space<vmem>>, vector<16xf32>,
    %get3A_84 = arith.constant 0 : i32
    %get3A_85 = arith.index_cast %get3A_84 : i32 to index
    %get3A_86 = arith.constant 96 : index
    %get3A_87 = tpu.vector_load %arg5[%get3A_85, %get3A_86] {strides = array<i32>} : memref<3x256xf32, #tpu.memory_space<vmem>>, vector<16xf32>,
    %swap3A_88 = arith.constant 96 : index
    %swap3A_89 = tpu.vector_load %arg6[%swap3A_88] {strides = array<i32>} : memref<768xf32, #tpu.memory_space<vmem>>, vector<16xf32>,
    tpu.vector_store %arg6[%swap3A_88], %get3A_87 {strides = array<i32>} : memref<768xf32, #tpu.memory_space<vmem>>, vector<16xf32>,
    %get3A_90 = arith.constant 0 : i32
    %get3A_91 = arith.index_cast %get3A_90 : i32 to index
    %get3A_92 = arith.constant 112 : index
    %get3A_93 = tpu.vector_load %arg5[%get3A_91, %get3A_92] {strides = array<i32>} : memref<3x256xf32, #tpu.memory_space<vmem>>, vector<16xf32>,
    %swap3A_94 = arith.constant 112 : index
    %swap3A_95 = tpu.vector_load %arg6[%swap3A_94] {strides = array<i32>} : memref<768xf32, #tpu.memory_space<vmem>>, vector<16xf32>,
    tpu.vector_store %arg6[%swap3A_94], %get3A_93 {strides = array<i32>} : memref<768xf32, #tpu.memory_space<vmem>>, vector<16xf32>,
    %get3A_96 = arith.constant 0 : i32
    %get3A_97 = arith.index_cast %get3A_96 : i32 to index
    %get3A_98 = arith.constant 128 : index
    %get3A_99 = tpu.vector_load %arg5[%get3A_97, %get3A_98] {strides = array<i32>} : memref<3x256xf32, #tpu.memory_space<vmem>>, vector<16xf32>,
    %swap3A_100 = arith.constant 128 : index
    %swap3A_101 = tpu.vector_load %arg6[%swap3A_100] {strides = array<i32>} : memref<768xf32, #tpu.memory_space<vmem>>, vector<16xf32>,
    tpu.vector_store %arg6[%swap3A_100], %get3A_99 {strides = array<i32>} : memref<768xf32, #tpu.memory_space<vmem>>, vector<16xf32>,
    %get3A_102 = arith.constant 0 : i32
    %get3A_103 = arith.index_cast %get3A_102 : i32 to index
    %get3A_104 = arith.constant 144 : index
    %get3A_105 = tpu.vector_load %arg5[%get3A_103, %get3A_104] {strides = array<i32>} : memref<3x256xf32, #tpu.memory_space<vmem>>, vector<16xf32>,
    %swap3A_106 = arith.constant 144 : index
    %swap3A_107 = tpu.vector_load %arg6[%swap3A_106] {strides = array<i32>} : memref<768xf32, #tpu.memory_space<vmem>>, vector<16xf32>,
    tpu.vector_store %arg6[%swap3A_106], %get3A_105 {strides = array<i32>} : memref<768xf32, #tpu.memory_space<vmem>>, vector<16xf32>,
    %get3A_108 = arith.constant 0 : i32
    %get3A_109 = arith.index_cast %get3A_108 : i32 to index
    %get3A_110 = arith.constant 160 : index
    %get3A_111 = tpu.vector_load %arg5[%get3A_109, %get3A_110] {strides = array<i32>} : memref<3x256xf32, #tpu.memory_space<vmem>>, vector<16xf32>,
    %swap3A_112 = arith.constant 160 : index
    %swap3A_113 = tpu.vector_load %arg6[%swap3A_112] {strides = array<i32>} : memref<768xf32, #tpu.memory_space<vmem>>, vector<16xf32>,
    tpu.vector_store %arg6[%swap3A_112], %get3A_111 {strides = array<i32>} : memref<768xf32, #tpu.memory_space<vmem>>, vector<16xf32>,
    %get3A_114 = arith.constant 0 : i32
    %get3A_115 = arith.index_cast %get3A_114 : i32 to index
    %get3A_116 = arith.constant 176 : index
    %get3A_117 = tpu.vector_load %arg5[%get3A_115, %get3A_116] {strides = array<i32>} : memref<3x256xf32, #tpu.memory_space<vmem>>, vector<16xf32>,
    %swap3A_118 = arith.constant 176 : index
    %swap3A_119 = tpu.vector_load %arg6[%swap3A_118] {strides = array<i32>} : memref<768xf32, #tpu.memory_space<vmem>>, vector<16xf32>,
    tpu.vector_store %arg6[%swap3A_118], %get3A_117 {strides = array<i32>} : memref<768xf32, #tpu.memory_space<vmem>>, vector<16xf32>,
    %get3A_120 = arith.constant 0 : i32
    %get3A_121 = arith.index_cast %get3A_120 : i32 to index
    %get3A_122 = arith.constant 192 : index
    %get3A_123 = tpu.vector_load %arg5[%get3A_121, %get3A_122] {strides = array<i32>} : memref<3x256xf32, #tpu.memory_space<vmem>>, vector<16xf32>,
    %swap3A_124 = arith.constant 192 : index
    %swap3A_125 = tpu.vector_load %arg6[%swap3A_124] {strides = array<i32>} : memref<768xf32, #tpu.memory_space<vmem>>, vector<16xf32>,
    tpu.vector_store %arg6[%swap3A_124], %get3A_123 {strides = array<i32>} : memref<768xf32, #tpu.memory_space<vmem>>, vector<16xf32>,
    %get3A_126 = arith.constant 0 : i32
    %get3A_127 = arith.index_cast %get3A_126 : i32 to index
    %get3A_128 = arith.constant 208 : index
    %get3A_129 = tpu.vector_load %arg5[%get3A_127, %get3A_128] {strides = array<i32>} : memref<3x256xf32, #tpu.memory_space<vmem>>, vector<16xf32>,
    %swap3A_130 = arith.constant 208 : index
    %swap3A_131 = tpu.vector_load %arg6[%swap3A_130] {strides = array<i32>} : memref<768xf32, #tpu.memory_space<vmem>>, vector<16xf32>,
    tpu.vector_store %arg6[%swap3A_130], %get3A_129 {strides = array<i32>} : memref<768xf32, #tpu.memory_space<vmem>>, vector<16xf32>,
    %get3A_132 = arith.constant 0 : i32
    %get3A_133 = arith.index_cast %get3A_132 : i32 to index
    %get3A_134 = arith.constant 224 : index
    %get3A_135 = tpu.vector_load %arg5[%get3A_133, %get3A_134] {strides = array<i32>} : memref<3x256xf32, #tpu.memory_space<vmem>>, vector<16xf32>,
    %swap3A_136 = arith.constant 224 : index
    %swap3A_137 = tpu.vector_load %arg6[%swap3A_136] {strides = array<i32>} : memref<768xf32, #tpu.memory_space<vmem>>, vector<16xf32>,
    tpu.vector_store %arg6[%swap3A_136], %get3A_135 {strides = array<i32>} : memref<768xf32, #tpu.memory_space<vmem>>, vector<16xf32>,
    %get3A_138 = arith.constant 0 : i32
    %get3A_139 = arith.index_cast %get3A_138 : i32 to index
    %get3A_140 = arith.constant 240 : index
    %get3A_141 = tpu.vector_load %arg5[%get3A_139, %get3A_140] {strides = array<i32>} : memref<3x256xf32, #tpu.memory_space<vmem>>, vector<16xf32>,
    %swap3A_142 = arith.constant 240 : index
    %swap3A_143 = tpu.vector_load %arg6[%swap3A_142] {strides = array<i32>} : memref<768xf32, #tpu.memory_space<vmem>>, vector<16xf32>,
    tpu.vector_store %arg6[%swap3A_142], %get3A_141 {strides = array<i32>} : memref<768xf32, #tpu.memory_space<vmem>>, vector<16xf32>,
    %get3A_144 = arith.constant 1 : i32
    %get3A_145 = arith.index_cast %get3A_144 : i32 to index
    %get3A_146 = arith.constant 0 : index
    %get3A_147 = tpu.vector_load %arg5[%get3A_145, %get3A_146] {strides = array<i32>} : memref<3x256xf32, #tpu.memory_space<vmem>>, vector<16xf32>,
    %swap3A_148 = arith.constant 256 : index
    %swap3A_149 = tpu.vector_load %arg6[%swap3A_148] {strides = array<i32>} : memref<768xf32, #tpu.memory_space<vmem>>, vector<16xf32>,
    tpu.vector_store %arg6[%swap3A_148], %get3A_147 {strides = array<i32>} : memref<768xf32, #tpu.memory_space<vmem>>, vector<16xf32>,
    %get3A_150 = arith.constant 1 : i32
    %get3A_151 = arith.index_cast %get3A_150 : i32 to index
    %get3A_152 = arith.constant 16 : index
    %get3A_153 = tpu.vector_load %arg5[%get3A_151, %get3A_152] {strides = array<i32>} : memref<3x256xf32, #tpu.memory_space<vmem>>, vector<16xf32>,
    %swap3A_154 = arith.constant 272 : index
    %swap3A_155 = tpu.vector_load %arg6[%swap3A_154] {strides = array<i32>} : memref<768xf32, #tpu.memory_space<vmem>>, vector<16xf32>,
    tpu.vector_store %arg6[%swap3A_154], %get3A_153 {strides = array<i32>} : memref<768xf32, #tpu.memory_space<vmem>>, vector<16xf32>,
    %get3A_156 = arith.constant 1 : i32
    %get3A_157 = arith.index_cast %get3A_156 : i32 to index
    %get3A_158 = arith.constant 32 : index
    %get3A_159 = tpu.vector_load %arg5[%get3A_157, %get3A_158] {strides = array<i32>} : memref<3x256xf32, #tpu.memory_space<vmem>>, vector<16xf32>,
    %swap3A_160 = arith.constant 288 : index
    %swap3A_161 = tpu.vector_load %arg6[%swap3A_160] {strides = array<i32>} : memref<768xf32, #tpu.memory_space<vmem>>, vector<16xf32>,
    tpu.vector_store %arg6[%swap3A_160], %get3A_159 {strides = array<i32>} : memref<768xf32, #tpu.memory_space<vmem>>, vector<16xf32>,
    %get3A_162 = arith.constant 1 : i32
    %get3A_163 = arith.index_cast %get3A_162 : i32 to index
    %get3A_164 = arith.constant 48 : index
    %get3A_165 = tpu.vector_load %arg5[%get3A_163, %get3A_164] {strides = array<i32>} : memref<3x256xf32, #tpu.memory_space<vmem>>, vector<16xf32>,
    %swap3A_166 = arith.constant 304 : index
    %swap3A_167 = tpu.vector_load %arg6[%swap3A_166] {strides = array<i32>} : memref<768xf32, #tpu.memory_space<vmem>>, vector<16xf32>,
    tpu.vector_store %arg6[%swap3A_166], %get3A_165 {strides = array<i32>} : memref<768xf32, #tpu.memory_space<vmem>>, vector<16xf32>,
    %get3A_168 = arith.constant 1 : i32
    %get3A_169 = arith.index_cast %get3A_168 : i32 to index
    %get3A_170 = arith.constant 64 : index
    %get3A_171 = tpu.vector_load %arg5[%get3A_169, %get3A_170] {strides = array<i32>} : memref<3x256xf32, #tpu.memory_space<vmem>>, vector<16xf32>,
    %swap3A_172 = arith.constant 320 : index
    %swap3A_173 = tpu.vector_load %arg6[%swap3A_172] {strides = array<i32>} : memref<768xf32, #tpu.memory_space<vmem>>, vector<16xf32>,
    tpu.vector_store %arg6[%swap3A_172], %get3A_171 {strides = array<i32>} : memref<768xf32, #tpu.memory_space<vmem>>, vector<16xf32>,
    %get3A_174 = arith.constant 1 : i32
    %get3A_175 = arith.index_cast %get3A_174 : i32 to index
    %get3A_176 = arith.constant 80 : index
    %get3A_177 = tpu.vector_load %arg5[%get3A_175, %get3A_176] {strides = array<i32>} : memref<3x256xf32, #tpu.memory_space<vmem>>, vector<16xf32>,
    %swap3A_178 = arith.constant 336 : index
    %swap3A_179 = tpu.vector_load %arg6[%swap3A_178] {strides = array<i32>} : memref<768xf32, #tpu.memory_space<vmem>>, vector<16xf32>,
    tpu.vector_store %arg6[%swap3A_178], %get3A_177 {strides = array<i32>} : memref<768xf32, #tpu.memory_space<vmem>>, vector<16xf32>,
    %get3A_180 = arith.constant 1 : i32
    %get3A_181 = arith.index_cast %get3A_180 : i32 to index
    %get3A_182 = arith.constant 96 : index
    %get3A_183 = tpu.vector_load %arg5[%get3A_181, %get3A_182] {strides = array<i32>} : memref<3x256xf32, #tpu.memory_space<vmem>>, vector<16xf32>,
    %swap3A_184 = arith.constant 352 : index
    %swap3A_185 = tpu.vector_load %arg6[%swap3A_184] {strides = array<i32>} : memref<768xf32, #tpu.memory_space<vmem>>, vector<16xf32>,
    tpu.vector_store %arg6[%swap3A_184], %get3A_183 {strides = array<i32>} : memref<768xf32, #tpu.memory_space<vmem>>, vector<16xf32>,
    %get3A_186 = arith.constant 1 : i32
    %get3A_187 = arith.index_cast %get3A_186 : i32 to index
    %get3A_188 = arith.constant 112 : index
    %get3A_189 = tpu.vector_load %arg5[%get3A_187, %get3A_188] {strides = array<i32>} : memref<3x256xf32, #tpu.memory_space<vmem>>, vector<16xf32>,
    %swap3A_190 = arith.constant 368 : index
    %swap3A_191 = tpu.vector_load %arg6[%swap3A_190] {strides = array<i32>} : memref<768xf32, #tpu.memory_space<vmem>>, vector<16xf32>,
    tpu.vector_store %arg6[%swap3A_190], %get3A_189 {strides = array<i32>} : memref<768xf32, #tpu.memory_space<vmem>>, vector<16xf32>,
    %get3A_192 = arith.constant 1 : i32
    %get3A_193 = arith.index_cast %get3A_192 : i32 to index
    %get3A_194 = arith.constant 128 : index
    %get3A_195 = tpu.vector_load %arg5[%get3A_193, %get3A_194] {strides = array<i32>} : memref<3x256xf32, #tpu.memory_space<vmem>>, vector<16xf32>,
    %swap3A_196 = arith.constant 384 : index
    %swap3A_197 = tpu.vector_load %arg6[%swap3A_196] {strides = array<i32>} : memref<768xf32, #tpu.memory_space<vmem>>, vector<16xf32>,
    tpu.vector_store %arg6[%swap3A_196], %get3A_195 {strides = array<i32>} : memref<768xf32, #tpu.memory_space<vmem>>, vector<16xf32>,
    %get3A_198 = arith.constant 1 : i32
    %get3A_199 = arith.index_cast %get3A_198 : i32 to index
    %get3A_200 = arith.constant 144 : index
    %get3A_201 = tpu.vector_load %arg5[%get3A_199, %get3A_200] {strides = array<i32>} : memref<3x256xf32, #tpu.memory_space<vmem>>, vector<16xf32>,
    %swap3A_202 = arith.constant 400 : index
    %swap3A_203 = tpu.vector_load %arg6[%swap3A_202] {strides = array<i32>} : memref<768xf32, #tpu.memory_space<vmem>>, vector<16xf32>,
    tpu.vector_store %arg6[%swap3A_202], %get3A_201 {strides = array<i32>} : memref<768xf32, #tpu.memory_space<vmem>>, vector<16xf32>,
    %get3A_204 = arith.constant 1 : i32
    %get3A_205 = arith.index_cast %get3A_204 : i32 to index
    %get3A_206 = arith.constant 160 : index
    %get3A_207 = tpu.vector_load %arg5[%get3A_205, %get3A_206] {strides = array<i32>} : memref<3x256xf32, #tpu.memory_space<vmem>>, vector<16xf32>,
    %swap3A_208 = arith.constant 416 : index
    %swap3A_209 = tpu.vector_load %arg6[%swap3A_208] {strides = array<i32>} : memref<768xf32, #tpu.memory_space<vmem>>, vector<16xf32>,
    tpu.vector_store %arg6[%swap3A_208], %get3A_207 {strides = array<i32>} : memref<768xf32, #tpu.memory_space<vmem>>, vector<16xf32>,
    %get3A_210 = arith.constant 1 : i32
    %get3A_211 = arith.index_cast %get3A_210 : i32 to index
    %get3A_212 = arith.constant 176 : index
    %get3A_213 = tpu.vector_load %arg5[%get3A_211, %get3A_212] {strides = array<i32>} : memref<3x256xf32, #tpu.memory_space<vmem>>, vector<16xf32>,
    %swap3A_214 = arith.constant 432 : index
    %swap3A_215 = tpu.vector_load %arg6[%swap3A_214] {strides = array<i32>} : memref<768xf32, #tpu.memory_space<vmem>>, vector<16xf32>,
    tpu.vector_store %arg6[%swap3A_214], %get3A_213 {strides = array<i32>} : memref<768xf32, #tpu.memory_space<vmem>>, vector<16xf32>,
    %get3A_216 = arith.constant 1 : i32
    %get3A_217 = arith.index_cast %get3A_216 : i32 to index
    %get3A_218 = arith.constant 192 : index
    %get3A_219 = tpu.vector_load %arg5[%get3A_217, %get3A_218] {strides = array<i32>} : memref<3x256xf32, #tpu.memory_space<vmem>>, vector<16xf32>,
    %swap3A_220 = arith.constant 448 : index
    %swap3A_221 = tpu.vector_load %arg6[%swap3A_220] {strides = array<i32>} : memref<768xf32, #tpu.memory_space<vmem>>, vector<16xf32>,
    tpu.vector_store %arg6[%swap3A_220], %get3A_219 {strides = array<i32>} : memref<768xf32, #tpu.memory_space<vmem>>, vector<16xf32>,
    %get3A_222 = arith.constant 1 : i32
    %get3A_223 = arith.index_cast %get3A_222 : i32 to index
    %get3A_224 = arith.constant 208 : index
    %get3A_225 = tpu.vector_load %arg5[%get3A_223, %get3A_224] {strides = array<i32>} : memref<3x256xf32, #tpu.memory_space<vmem>>, vector<16xf32>,
    %swap3A_226 = arith.constant 464 : index
    %swap3A_227 = tpu.vector_load %arg6[%swap3A_226] {strides = array<i32>} : memref<768xf32, #tpu.memory_space<vmem>>, vector<16xf32>,
    tpu.vector_store %arg6[%swap3A_226], %get3A_225 {strides = array<i32>} : memref<768xf32, #tpu.memory_space<vmem>>, vector<16xf32>,
    %get3A_228 = arith.constant 1 : i32
    %get3A_229 = arith.index_cast %get3A_228 : i32 to index
    %get3A_230 = arith.constant 224 : index
    %get3A_231 = tpu.vector_load %arg5[%get3A_229, %get3A_230] {strides = array<i32>} : memref<3x256xf32, #tpu.memory_space<vmem>>, vector<16xf32>,
    %swap3A_232 = arith.constant 480 : index
    %swap3A_233 = tpu.vector_load %arg6[%swap3A_232] {strides = array<i32>} : memref<768xf32, #tpu.memory_space<vmem>>, vector<16xf32>,
    tpu.vector_store %arg6[%swap3A_232], %get3A_231 {strides = array<i32>} : memref<768xf32, #tpu.memory_space<vmem>>, vector<16xf32>,
    %get3A_234 = arith.constant 1 : i32
    %get3A_235 = arith.index_cast %get3A_234 : i32 to index
    %get3A_236 = arith.constant 240 : index
    %get3A_237 = tpu.vector_load %arg5[%get3A_235, %get3A_236] {strides = array<i32>} : memref<3x256xf32, #tpu.memory_space<vmem>>, vector<16xf32>,
    %swap3A_238 = arith.constant 496 : index
    %swap3A_239 = tpu.vector_load %arg6[%swap3A_238] {strides = array<i32>} : memref<768xf32, #tpu.memory_space<vmem>>, vector<16xf32>,
    tpu.vector_store %arg6[%swap3A_238], %get3A_237 {strides = array<i32>} : memref<768xf32, #tpu.memory_space<vmem>>, vector<16xf32>,
    %get3A_240 = arith.constant 2 : i32
    %get3A_241 = arith.index_cast %get3A_240 : i32 to index
    %get3A_242 = arith.constant 0 : index
    %get3A_243 = tpu.vector_load %arg5[%get3A_241, %get3A_242] {strides = array<i32>} : memref<3x256xf32, #tpu.memory_space<vmem>>, vector<16xf32>,
    %swap3A_244 = arith.constant 512 : index
    %swap3A_245 = tpu.vector_load %arg6[%swap3A_244] {strides = array<i32>} : memref<768xf32, #tpu.memory_space<vmem>>, vector<16xf32>,
    tpu.vector_store %arg6[%swap3A_244], %get3A_243 {strides = array<i32>} : memref<768xf32, #tpu.memory_space<vmem>>, vector<16xf32>,
    %get3A_246 = arith.constant 2 : i32
    %get3A_247 = arith.index_cast %get3A_246 : i32 to index
    %get3A_248 = arith.constant 16 : index
    %get3A_249 = tpu.vector_load %arg5[%get3A_247, %get3A_248] {strides = array<i32>} : memref<3x256xf32, #tpu.memory_space<vmem>>, vector<16xf32>,
    %swap3A_250 = arith.constant 528 : index
    %swap3A_251 = tpu.vector_load %arg6[%swap3A_250] {strides = array<i32>} : memref<768xf32, #tpu.memory_space<vmem>>, vector<16xf32>,
    tpu.vector_store %arg6[%swap3A_250], %get3A_249 {strides = array<i32>} : memref<768xf32, #tpu.memory_space<vmem>>, vector<16xf32>,
    %get3A_252 = arith.constant 2 : i32
    %get3A_253 = arith.index_cast %get3A_252 : i32 to index
    %get3A_254 = arith.constant 32 : index
    %get3A_255 = tpu.vector_load %arg5[%get3A_253, %get3A_254] {strides = array<i32>} : memref<3x256xf32, #tpu.memory_space<vmem>>, vector<16xf32>,
    %swap3A_256 = arith.constant 544 : index
    %swap3A_257 = tpu.vector_load %arg6[%swap3A_256] {strides = array<i32>} : memref<768xf32, #tpu.memory_space<vmem>>, vector<16xf32>,
    tpu.vector_store %arg6[%swap3A_256], %get3A_255 {strides = array<i32>} : memref<768xf32, #tpu.memory_space<vmem>>, vector<16xf32>,
    %get3A_258 = arith.constant 2 : i32
    %get3A_259 = arith.index_cast %get3A_258 : i32 to index
    %get3A_260 = arith.constant 48 : index
    %get3A_261 = tpu.vector_load %arg5[%get3A_259, %get3A_260] {strides = array<i32>} : memref<3x256xf32, #tpu.memory_space<vmem>>, vector<16xf32>,
    %swap3A_262 = arith.constant 560 : index
    %swap3A_263 = tpu.vector_load %arg6[%swap3A_262] {strides = array<i32>} : memref<768xf32, #tpu.memory_space<vmem>>, vector<16xf32>,
    tpu.vector_store %arg6[%swap3A_262], %get3A_261 {strides = array<i32>} : memref<768xf32, #tpu.memory_space<vmem>>, vector<16xf32>,
    %get3A_264 = arith.constant 2 : i32
    %get3A_265 = arith.index_cast %get3A_264 : i32 to index
    %get3A_266 = arith.constant 64 : index
    %get3A_267 = tpu.vector_load %arg5[%get3A_265, %get3A_266] {strides = array<i32>} : memref<3x256xf32, #tpu.memory_space<vmem>>, vector<16xf32>,
    %swap3A_268 = arith.constant 576 : index
    %swap3A_269 = tpu.vector_load %arg6[%swap3A_268] {strides = array<i32>} : memref<768xf32, #tpu.memory_space<vmem>>, vector<16xf32>,
    tpu.vector_store %arg6[%swap3A_268], %get3A_267 {strides = array<i32>} : memref<768xf32, #tpu.memory_space<vmem>>, vector<16xf32>,
    %get3A_270 = arith.constant 2 : i32
    %get3A_271 = arith.index_cast %get3A_270 : i32 to index
    %get3A_272 = arith.constant 80 : index
    %get3A_273 = tpu.vector_load %arg5[%get3A_271, %get3A_272] {strides = array<i32>} : memref<3x256xf32, #tpu.memory_space<vmem>>, vector<16xf32>,
    %swap3A_274 = arith.constant 592 : index
    %swap3A_275 = tpu.vector_load %arg6[%swap3A_274] {strides = array<i32>} : memref<768xf32, #tpu.memory_space<vmem>>, vector<16xf32>,
    tpu.vector_store %arg6[%swap3A_274], %get3A_273 {strides = array<i32>} : memref<768xf32, #tpu.memory_space<vmem>>, vector<16xf32>,
    %get3A_276 = arith.constant 2 : i32
    %get3A_277 = arith.index_cast %get3A_276 : i32 to index
    %get3A_278 = arith.constant 96 : index
    %get3A_279 = tpu.vector_load %arg5[%get3A_277, %get3A_278] {strides = array<i32>} : memref<3x256xf32, #tpu.memory_space<vmem>>, vector<16xf32>,
    %swap3A_280 = arith.constant 608 : index
    %swap3A_281 = tpu.vector_load %arg6[%swap3A_280] {strides = array<i32>} : memref<768xf32, #tpu.memory_space<vmem>>, vector<16xf32>,
    tpu.vector_store %arg6[%swap3A_280], %get3A_279 {strides = array<i32>} : memref<768xf32, #tpu.memory_space<vmem>>, vector<16xf32>,
    %get3A_282 = arith.constant 2 : i32
    %get3A_283 = arith.index_cast %get3A_282 : i32 to index
    %get3A_284 = arith.constant 112 : index
    %get3A_285 = tpu.vector_load %arg5[%get3A_283, %get3A_284] {strides = array<i32>} : memref<3x256xf32, #tpu.memory_space<vmem>>, vector<16xf32>,
    %swap3A_286 = arith.constant 624 : index
    %swap3A_287 = tpu.vector_load %arg6[%swap3A_286] {strides = array<i32>} : memref<768xf32, #tpu.memory_space<vmem>>, vector<16xf32>,
    tpu.vector_store %arg6[%swap3A_286], %get3A_285 {strides = array<i32>} : memref<768xf32, #tpu.memory_space<vmem>>, vector<16xf32>,
    %get3A_288 = arith.constant 2 : i32
    %get3A_289 = arith.index_cast %get3A_288 : i32 to index
    %get3A_290 = arith.constant 128 : index
    %get3A_291 = tpu.vector_load %arg5[%get3A_289, %get3A_290] {strides = array<i32>} : memref<3x256xf32, #tpu.memory_space<vmem>>, vector<16xf32>,
    %swap3A_292 = arith.constant 640 : index
    %swap3A_293 = tpu.vector_load %arg6[%swap3A_292] {strides = array<i32>} : memref<768xf32, #tpu.memory_space<vmem>>, vector<16xf32>,
    tpu.vector_store %arg6[%swap3A_292], %get3A_291 {strides = array<i32>} : memref<768xf32, #tpu.memory_space<vmem>>, vector<16xf32>,
    %get3A_294 = arith.constant 2 : i32
    %get3A_295 = arith.index_cast %get3A_294 : i32 to index
    %get3A_296 = arith.constant 144 : index
    %get3A_297 = tpu.vector_load %arg5[%get3A_295, %get3A_296] {strides = array<i32>} : memref<3x256xf32, #tpu.memory_space<vmem>>, vector<16xf32>,
    %swap3A_298 = arith.constant 656 : index
    %swap3A_299 = tpu.vector_load %arg6[%swap3A_298] {strides = array<i32>} : memref<768xf32, #tpu.memory_space<vmem>>, vector<16xf32>,
    tpu.vector_store %arg6[%swap3A_298], %get3A_297 {strides = array<i32>} : memref<768xf32, #tpu.memory_space<vmem>>, vector<16xf32>,
    %get3A_300 = arith.constant 2 : i32
    %get3A_301 = arith.index_cast %get3A_300 : i32 to index
    %get3A_302 = arith.constant 160 : index
    %get3A_303 = tpu.vector_load %arg5[%get3A_301, %get3A_302] {strides = array<i32>} : memref<3x256xf32, #tpu.memory_space<vmem>>, vector<16xf32>,
    %swap3A_304 = arith.constant 672 : index
    %swap3A_305 = tpu.vector_load %arg6[%swap3A_304] {strides = array<i32>} : memref<768xf32, #tpu.memory_space<vmem>>, vector<16xf32>,
    tpu.vector_store %arg6[%swap3A_304], %get3A_303 {strides = array<i32>} : memref<768xf32, #tpu.memory_space<vmem>>, vector<16xf32>,
    %get3A_306 = arith.constant 2 : i32
    %get3A_307 = arith.index_cast %get3A_306 : i32 to index
    %get3A_308 = arith.constant 176 : index
    %get3A_309 = tpu.vector_load %arg5[%get3A_307, %get3A_308] {strides = array<i32>} : memref<3x256xf32, #tpu.memory_space<vmem>>, vector<16xf32>,
    %swap3A_310 = arith.constant 688 : index
    %swap3A_311 = tpu.vector_load %arg6[%swap3A_310] {strides = array<i32>} : memref<768xf32, #tpu.memory_space<vmem>>, vector<16xf32>,
    tpu.vector_store %arg6[%swap3A_310], %get3A_309 {strides = array<i32>} : memref<768xf32, #tpu.memory_space<vmem>>, vector<16xf32>,
    %get3A_312 = arith.constant 2 : i32
    %get3A_313 = arith.index_cast %get3A_312 : i32 to index
    %get3A_314 = arith.constant 192 : index
    %get3A_315 = tpu.vector_load %arg5[%get3A_313, %get3A_314] {strides = array<i32>} : memref<3x256xf32, #tpu.memory_space<vmem>>, vector<16xf32>,
    %swap3A_316 = arith.constant 704 : index
    %swap3A_317 = tpu.vector_load %arg6[%swap3A_316] {strides = array<i32>} : memref<768xf32, #tpu.memory_space<vmem>>, vector<16xf32>,
    tpu.vector_store %arg6[%swap3A_316], %get3A_315 {strides = array<i32>} : memref<768xf32, #tpu.memory_space<vmem>>, vector<16xf32>,
    %get3A_318 = arith.constant 2 : i32
    %get3A_319 = arith.index_cast %get3A_318 : i32 to index
    %get3A_320 = arith.constant 208 : index
    %get3A_321 = tpu.vector_load %arg5[%get3A_319, %get3A_320] {strides = array<i32>} : memref<3x256xf32, #tpu.memory_space<vmem>>, vector<16xf32>,
    %swap3A_322 = arith.constant 720 : index
    %swap3A_323 = tpu.vector_load %arg6[%swap3A_322] {strides = array<i32>} : memref<768xf32, #tpu.memory_space<vmem>>, vector<16xf32>,
    tpu.vector_store %arg6[%swap3A_322], %get3A_321 {strides = array<i32>} : memref<768xf32, #tpu.memory_space<vmem>>, vector<16xf32>,
    %get3A_324 = arith.constant 2 : i32
    %get3A_325 = arith.index_cast %get3A_324 : i32 to index
    %get3A_326 = arith.constant 224 : index
    %get3A_327 = tpu.vector_load %arg5[%get3A_325, %get3A_326] {strides = array<i32>} : memref<3x256xf32, #tpu.memory_space<vmem>>, vector<16xf32>,
    %swap3A_328 = arith.constant 736 : index
    %swap3A_329 = tpu.vector_load %arg6[%swap3A_328] {strides = array<i32>} : memref<768xf32, #tpu.memory_space<vmem>>, vector<16xf32>,
    tpu.vector_store %arg6[%swap3A_328], %get3A_327 {strides = array<i32>} : memref<768xf32, #tpu.memory_space<vmem>>, vector<16xf32>,
    %get3A_330 = arith.constant 2 : i32
    %get3A_331 = arith.index_cast %get3A_330 : i32 to index
    %get3A_332 = arith.constant 240 : index
    %get3A_333 = tpu.vector_load %arg5[%get3A_331, %get3A_332] {strides = array<i32>} : memref<3x256xf32, #tpu.memory_space<vmem>>, vector<16xf32>,
    %swap3A_334 = arith.constant 752 : index
    %swap3A_335 = tpu.vector_load %arg6[%swap3A_334] {strides = array<i32>} : memref<768xf32, #tpu.memory_space<vmem>>, vector<16xf32>,
    tpu.vector_store %arg6[%swap3A_334], %get3A_333 {strides = array<i32>} : memref<768xf32, #tpu.memory_space<vmem>>, vector<16xf32>,
    %scan3A = arith.constant 0 : i32
    %scan3A_336 = arith.constant 8 : i32
    %scan3A_337 = arith.addi %scan3A, %scan3A_336 : i32
    %scan3A_338 = arith.constant 1 : i32
    scf.for %scan3A_359 = %scan3A to %scan3A_337 step %scan3A_338  : i32 {
      %mul3A_360 = arith.constant 2 : i32
      %mul3A_361 = arith.muli %scan3A_359, %mul3A_360 : i32
      %add3A_362 = arith.constant 0 : i32
      %add3A_363 = arith.addi %add3A_362, %mul3A_361 : i32
      %add3A_364 = arith.constant 0 : i32
      %add3A_365 = arith.addi %add3A_363, %add3A_364 : i32
      %mul3A_366 = arith.constant 16 : i32
      %mul3A_367 = arith.muli %add3A_365, %mul3A_366 : i32
      %add3A_368 = arith.addi %mul3A_32, %mul3A_367 : i32
      %dma_wait3A_369 = arith.constant 0 : i32
      %dma_wait3A_370 = arith.constant 0 : i32
      %dma_wait3A_371 = tpu.memref_slice %arg2[%select_n3A, %dma_wait3A_369, %add3A_368, %dma_wait3A_370] : memref<16x1x512x512xi32, #tpu.memory_space<hbm>> -> memref<1x1x16x512xi32, #tpu.memory_space<hbm>>
      %dma_wait3A_372 = tpu.memref_squeeze %dma_wait3A_371 : memref<1x1x16x512xi32, #tpu.memory_space<hbm>> -> memref<16x512xi32, #tpu.memory_space<hbm>>
      %dma_wait3A_373 = arith.constant 0 : i32
      %dma_wait3A_374 = tpu.memref_slice %arg2[%select_n3A, %dma_wait3A_369, %add3A_368, %dma_wait3A_373] : memref<16x1x512x512xi32, #tpu.memory_space<hbm>> -> memref<1x1x16x512xi32, #tpu.memory_space<hbm>>
      %dma_wait3A_375 = tpu.memref_squeeze %dma_wait3A_374 : memref<1x1x16x512xi32, #tpu.memory_space<hbm>> -> memref<16x512xi32, #tpu.memory_space<hbm>>
      tpu.wait_dma2 semaphore(%arg11 : memref<!tpu.dma_semaphore, #tpu.memory_space<semaphore_mem>>) src(%dma_wait3A_375 : memref<16x512xi32, #tpu.memory_space<hbm>>) dst(%arg7 : memref<16x512xi32, #tpu.memory_space<vmem>>)
      %ge3A = arith.constant 2 : i32
      %ge3A_376 = arith.cmpi sge, %add3A_365, %ge3A : i32
      %convert_element_type3A = arith.extui %ge3A_376 : i1 to i32
      %cond3A = arith.constant 0 : i32
      %cond3A_377 = arith.cmpi ne, %convert_element_type3A, %cond3A : i32
      scf.if %cond3A_377 {
        %sub3A_436 = arith.constant 2 : i32
        %sub3A_437 = arith.subi %add3A_365, %sub3A_436 : i32
        %mul3A_438 = arith.constant 16 : i32
        %mul3A_439 = arith.muli %sub3A_437, %mul3A_438 : i32
        %add3A_440 = arith.addi %mul3A_32, %mul3A_439 : i32
        %dma_wait3A_441 = arith.constant 0 : i32
        %dma_wait3A_442 = arith.constant 0 : i32
        %dma_wait3A_443 = tpu.memref_slice %arg4[%select_n3A, %dma_wait3A_441, %add3A_440, %dma_wait3A_442] : memref<16x3x512x512xf32, #tpu.memory_space<hbm>> -> memref<1x3x16x512xf32, #tpu.memory_space<hbm>>
        %dma_wait3A_444 = tpu.memref_squeeze %dma_wait3A_443 : memref<1x3x16x512xf32, #tpu.memory_space<hbm>> -> memref<3x16x512xf32, #tpu.memory_space<hbm>>
        %dma_wait3A_445 = arith.constant 0 : i32
        %dma_wait3A_446 = arith.constant 0 : i32
        %dma_wait3A_447 = tpu.memref_slice %arg4[%select_n3A, %dma_wait3A_445, %add3A_440, %dma_wait3A_446] : memref<16x3x512x512xf32, #tpu.memory_space<hbm>> -> memref<1x3x16x512xf32, #tpu.memory_space<hbm>>
        %dma_wait3A_448 = tpu.memref_squeeze %dma_wait3A_447 : memref<1x3x16x512xf32, #tpu.memory_space<hbm>> -> memref<3x16x512xf32, #tpu.memory_space<hbm>>
        tpu.wait_dma2 semaphore(%arg12 : memref<!tpu.dma_semaphore, #tpu.memory_space<semaphore_mem>>) src(%arg9 : memref<3x16x512xf32, #tpu.memory_space<vmem>>) dst(%dma_wait3A_448 : memref<3x16x512xf32, #tpu.memory_space<hbm>>)
      } else {
      }
      %parallel_loop3A = arith.constant 0 : i32
      %parallel_loop3A_378 = arith.constant 512 : i32
      %parallel_loop3A_379 = arith.constant 1 : i32
      scf.for %parallel_loop3A_436 = %parallel_loop3A to %parallel_loop3A_378 step %parallel_loop3A_379  : i32 {
        %parallel_loop3A_437 = arith.constant 32 : i32
        %parallel_loop3A_438 = arith.divsi %parallel_loop3A_436, %parallel_loop3A_437 : i32
        %parallel_loop3A_439 = arith.constant 0 : i32
        %parallel_loop3A_440 = arith.cmpi sgt, %parallel_loop3A_436, %parallel_loop3A_439 : i32
        %parallel_loop3A_441 = arith.extui %parallel_loop3A_440 : i1 to i32
        %parallel_loop3A_442 = arith.constant 0 : i32
        %parallel_loop3A_443 = arith.cmpi slt, %parallel_loop3A_436, %parallel_loop3A_442 : i32
        %parallel_loop3A_444 = arith.extui %parallel_loop3A_443 : i1 to i32
        %parallel_loop3A_445 = arith.subi %parallel_loop3A_441, %parallel_loop3A_444 : i32
        %parallel_loop3A_446 = arith.constant 0 : i32
        %parallel_loop3A_447 = arith.cmpi sgt, %parallel_loop3A_437, %parallel_loop3A_446 : i32
        %parallel_loop3A_448 = arith.extui %parallel_loop3A_447 : i1 to i32
        %parallel_loop3A_449 = arith.constant 0 : i32
        %parallel_loop3A_450 = arith.cmpi slt, %parallel_loop3A_437, %parallel_loop3A_449 : i32
        %parallel_loop3A_451 = arith.extui %parallel_loop3A_450 : i1 to i32
        %parallel_loop3A_452 = arith.subi %parallel_loop3A_448, %parallel_loop3A_451 : i32
        %parallel_loop3A_453 = arith.cmpi ne, %parallel_loop3A_445, %parallel_loop3A_452 : i32
        %parallel_loop3A_454 = arith.remsi %parallel_loop3A_436, %parallel_loop3A_437 : i32
        %parallel_loop3A_455 = arith.constant 0 : i32
        %parallel_loop3A_456 = arith.cmpi ne, %parallel_loop3A_454, %parallel_loop3A_455 : i32
        %parallel_loop3A_457 = arith.andi %parallel_loop3A_453, %parallel_loop3A_456 : i1
        %parallel_loop3A_458 = arith.constant 1 : i32
        %parallel_loop3A_459 = arith.subi %parallel_loop3A_438, %parallel_loop3A_458 : i32
        %parallel_loop3A_460 = arith.select %parallel_loop3A_457, %parallel_loop3A_459, %parallel_loop3A_438 : i32
        %parallel_loop3A_461 = arith.constant 32 : i32
        %parallel_loop3A_462 = arith.constant 0 : i32
        %parallel_loop3A_463 = arith.cmpi eq, %parallel_loop3A_461, %parallel_loop3A_462 : i32
        %parallel_loop3A_464 = arith.constant 1 : i32
        %parallel_loop3A_465 = arith.select %parallel_loop3A_463, %parallel_loop3A_464, %parallel_loop3A_461 : i32
        %parallel_loop3A_466 = arith.remsi %parallel_loop3A_436, %parallel_loop3A_465 : i32
        %parallel_loop3A_467 = arith.constant 0 : i32
        %parallel_loop3A_468 = arith.cmpi ne, %parallel_loop3A_466, %parallel_loop3A_467 : i32
        %parallel_loop3A_469 = arith.constant 0 : i32
        %parallel_loop3A_470 = arith.cmpi slt, %parallel_loop3A_466, %parallel_loop3A_469 : i32
        %parallel_loop3A_471 = arith.constant 0 : i32
        %parallel_loop3A_472 = arith.cmpi slt, %parallel_loop3A_465, %parallel_loop3A_471 : i32
        %parallel_loop3A_473 = arith.xori %parallel_loop3A_470, %parallel_loop3A_472 : i1
        %parallel_loop3A_474 = arith.andi %parallel_loop3A_473, %parallel_loop3A_468 : i1
        %parallel_loop3A_475 = arith.addi %parallel_loop3A_466, %parallel_loop3A_465 : i32
        %parallel_loop3A_476 = arith.select %parallel_loop3A_474, %parallel_loop3A_475, %parallel_loop3A_466 : i32
        %parallel_loop3A_477 = arith.constant 16 : i32
        %parallel_loop3A_478 = arith.muli %parallel_loop3A_476, %parallel_loop3A_477 : i32
        %parallel_loop3A_479 = arith.index_cast %parallel_loop3A_460 : i32 to index
        %parallel_loop3A_480 = arith.index_cast %parallel_loop3A_478 : i32 to index
        %parallel_loop3A_481 = tpu.vector_load %arg7[%parallel_loop3A_479, %parallel_loop3A_480] {strides = array<i32>} : memref<16x512xi32, #tpu.memory_space<vmem>>, vector<16xi32>,
        %parallel_loop3A_482 = arith.constant 0 : i32
        %parallel_loop3A_483 = vector.broadcast %parallel_loop3A_482 : i32 to vector<16xi32>
        %parallel_loop3A_484 = arith.maxsi %parallel_loop3A_481, %parallel_loop3A_483 : vector<16xi32>
        %parallel_loop3A_485 = arith.constant 255 : i32
        %parallel_loop3A_486 = vector.broadcast %parallel_loop3A_485 : i32 to vector<16xi32>
        %parallel_loop3A_487 = arith.minsi %parallel_loop3A_484, %parallel_loop3A_486 : vector<16xi32>
        %parallel_loop3A_488 = arith.constant 0 : i32
        %parallel_loop3A_489 = vector.broadcast %parallel_loop3A_488 : i32 to vector<16xi32>
        %parallel_loop3A_490 = arith.addi %parallel_loop3A_487, %parallel_loop3A_489 : vector<16xi32>
        %parallel_loop3A_491 = tpu.vector_load_idx %arg6[%parallel_loop3A_490] : memref<768xf32, #tpu.memory_space<vmem>>[vector<16xi32>], vector<16xf32>,
        %parallel_loop3A_492 = arith.constant 0 : i32
        %parallel_loop3A_493 = arith.index_cast %parallel_loop3A_492 : i32 to index
        %parallel_loop3A_494 = arith.index_cast %parallel_loop3A_460 : i32 to index
        %parallel_loop3A_495 = arith.index_cast %parallel_loop3A_478 : i32 to index
        %parallel_loop3A_496 = tpu.vector_load %arg9[%parallel_loop3A_493, %parallel_loop3A_494, %parallel_loop3A_495] {strides = array<i32>} : memref<3x16x512xf32, #tpu.memory_space<vmem>>, vector<16xf32>,
        tpu.vector_store %arg9[%parallel_loop3A_493, %parallel_loop3A_494, %parallel_loop3A_495], %parallel_loop3A_491 {strides = array<i32>} : memref<3x16x512xf32, #tpu.memory_space<vmem>>, vector<16xf32>,
        %parallel_loop3A_497 = arith.constant 256 : i32
        %parallel_loop3A_498 = vector.broadcast %parallel_loop3A_497 : i32 to vector<16xi32>
        %parallel_loop3A_499 = arith.addi %parallel_loop3A_487, %parallel_loop3A_498 : vector<16xi32>
        %parallel_loop3A_500 = tpu.vector_load_idx %arg6[%parallel_loop3A_499] : memref<768xf32, #tpu.memory_space<vmem>>[vector<16xi32>], vector<16xf32>,
        %parallel_loop3A_501 = arith.constant 1 : i32
        %parallel_loop3A_502 = arith.index_cast %parallel_loop3A_501 : i32 to index
        %parallel_loop3A_503 = arith.index_cast %parallel_loop3A_460 : i32 to index
        %parallel_loop3A_504 = arith.index_cast %parallel_loop3A_478 : i32 to index
        %parallel_loop3A_505 = tpu.vector_load %arg9[%parallel_loop3A_502, %parallel_loop3A_503, %parallel_loop3A_504] {strides = array<i32>} : memref<3x16x512xf32, #tpu.memory_space<vmem>>, vector<16xf32>,
        tpu.vector_store %arg9[%parallel_loop3A_502, %parallel_loop3A_503, %parallel_loop3A_504], %parallel_loop3A_500 {strides = array<i32>} : memref<3x16x512xf32, #tpu.memory_space<vmem>>, vector<16xf32>,
        %parallel_loop3A_506 = arith.constant 512 : i32
        %parallel_loop3A_507 = vector.broadcast %parallel_loop3A_506 : i32 to vector<16xi32>
        %parallel_loop3A_508 = arith.addi %parallel_loop3A_487, %parallel_loop3A_507 : vector<16xi32>
        %parallel_loop3A_509 = tpu.vector_load_idx %arg6[%parallel_loop3A_508] : memref<768xf32, #tpu.memory_space<vmem>>[vector<16xi32>], vector<16xf32>,
        %parallel_loop3A_510 = arith.constant 2 : i32
        %parallel_loop3A_511 = arith.index_cast %parallel_loop3A_510 : i32 to index
        %parallel_loop3A_512 = arith.index_cast %parallel_loop3A_460 : i32 to index
        %parallel_loop3A_513 = arith.index_cast %parallel_loop3A_478 : i32 to index
        %parallel_loop3A_514 = tpu.vector_load %arg9[%parallel_loop3A_511, %parallel_loop3A_512, %parallel_loop3A_513] {strides = array<i32>} : memref<3x16x512xf32, #tpu.memory_space<vmem>>, vector<16xf32>,
        tpu.vector_store %arg9[%parallel_loop3A_511, %parallel_loop3A_512, %parallel_loop3A_513], %parallel_loop3A_509 {strides = array<i32>} : memref<3x16x512xf32, #tpu.memory_space<vmem>>, vector<16xf32>,
      } {sc.loop_unroll_factor = 8 : i64, sc.parallel_access}
      %add3A_380 = arith.constant 2 : i32
      %add3A_381 = arith.addi %add3A_365, %add3A_380 : i32
      %lt3A_382 = arith.constant 16 : i32
      %lt3A_383 = arith.cmpi slt, %add3A_381, %lt3A_382 : i32
      %convert_element_type3A_384 = arith.extui %lt3A_383 : i1 to i32
      %cond3A_385 = arith.constant 0 : i32
      %cond3A_386 = arith.cmpi ne, %convert_element_type3A_384, %cond3A_385 : i32
      scf.if %cond3A_386 {
        %add3A_436 = arith.constant 2 : i32
        %add3A_437 = arith.addi %add3A_365, %add3A_436 : i32
        %mul3A_438 = arith.constant 16 : i32
        %mul3A_439 = arith.muli %add3A_437, %mul3A_438 : i32
        %add3A_440 = arith.addi %mul3A_32, %mul3A_439 : i32
        %dma_start3A_441 = arith.constant 0 : i32
        %dma_start3A_442 = arith.constant 0 : i32
        %dma_start3A_443 = tpu.memref_slice %arg2[%select_n3A, %dma_start3A_441, %add3A_440, %dma_start3A_442] : memref<16x1x512x512xi32, #tpu.memory_space<hbm>> -> memref<1x1x16x512xi32, #tpu.memory_space<hbm>>
        %dma_start3A_444 = tpu.memref_squeeze %dma_start3A_443 : memref<1x1x16x512xi32, #tpu.memory_space<hbm>> -> memref<16x512xi32, #tpu.memory_space<hbm>>
        %dma_start3A_445 = arith.constant 0 : i32
        %dma_start3A_446 = tpu.memref_slice %arg2[%select_n3A, %dma_start3A_441, %add3A_440, %dma_start3A_445] : memref<16x1x512x512xi32, #tpu.memory_space<hbm>> -> memref<1x1x16x512xi32, #tpu.memory_space<hbm>>
        %dma_start3A_447 = tpu.memref_squeeze %dma_start3A_446 : memref<1x1x16x512xi32, #tpu.memory_space<hbm>> -> memref<16x512xi32, #tpu.memory_space<hbm>>
        tpu.enqueue_dma source(%dma_start3A_447 : memref<16x512xi32, #tpu.memory_space<hbm>>) target(%arg7 : memref<16x512xi32, #tpu.memory_space<vmem>>) target_semaphore(%arg11 : memref<!tpu.dma_semaphore, #tpu.memory_space<semaphore_mem>>)
      } else {
      }
      %mul3A_387 = arith.constant 16 : i32
      %mul3A_388 = arith.muli %add3A_365, %mul3A_387 : i32
      %add3A_389 = arith.addi %mul3A_32, %mul3A_388 : i32
      %dma_start3A_390 = arith.constant 0 : i32
      %dma_start3A_391 = arith.constant 0 : i32
      %dma_start3A_392 = tpu.memref_slice %arg4[%select_n3A, %dma_start3A_390, %add3A_389, %dma_start3A_391] : memref<16x3x512x512xf32, #tpu.memory_space<hbm>> -> memref<1x3x16x512xf32, #tpu.memory_space<hbm>>
      %dma_start3A_393 = tpu.memref_squeeze %dma_start3A_392 : memref<1x3x16x512xf32, #tpu.memory_space<hbm>> -> memref<3x16x512xf32, #tpu.memory_space<hbm>>
      %dma_start3A_394 = arith.constant 0 : i32
      %dma_start3A_395 = arith.constant 0 : i32
      %dma_start3A_396 = tpu.memref_slice %arg4[%select_n3A, %dma_start3A_394, %add3A_389, %dma_start3A_395] : memref<16x3x512x512xf32, #tpu.memory_space<hbm>> -> memref<1x3x16x512xf32, #tpu.memory_space<hbm>>
      %dma_start3A_397 = tpu.memref_squeeze %dma_start3A_396 : memref<1x3x16x512xf32, #tpu.memory_space<hbm>> -> memref<3x16x512xf32, #tpu.memory_space<hbm>>
      tpu.enqueue_dma source(%arg9 : memref<3x16x512xf32, #tpu.memory_space<vmem>>) target(%dma_start3A_397 : memref<3x16x512xf32, #tpu.memory_space<hbm>>) target_semaphore(%arg12 : memref<!tpu.dma_semaphore, #tpu.memory_space<semaphore_mem>>)
      %add3A_398 = arith.constant 1 : i32
      %add3A_399 = arith.addi %add3A_363, %add3A_398 : i32
      %mul3A_400 = arith.constant 16 : i32
      %mul3A_401 = arith.muli %add3A_399, %mul3A_400 : i32
      %add3A_402 = arith.addi %mul3A_32, %mul3A_401 : i32
      %dma_wait3A_403 = arith.constant 0 : i32
      %dma_wait3A_404 = arith.constant 0 : i32
      %dma_wait3A_405 = tpu.memref_slice %arg2[%select_n3A, %dma_wait3A_403, %add3A_402, %dma_wait3A_404] : memref<16x1x512x512xi32, #tpu.memory_space<hbm>> -> memref<1x1x16x512xi32, #tpu.memory_space<hbm>>
      %dma_wait3A_406 = tpu.memref_squeeze %dma_wait3A_405 : memref<1x1x16x512xi32, #tpu.memory_space<hbm>> -> memref<16x512xi32, #tpu.memory_space<hbm>>
      %dma_wait3A_407 = arith.constant 0 : i32
      %dma_wait3A_408 = tpu.memref_slice %arg2[%select_n3A, %dma_wait3A_403, %add3A_402, %dma_wait3A_407] : memref<16x1x512x512xi32, #tpu.memory_space<hbm>> -> memref<1x1x16x512xi32, #tpu.memory_space<hbm>>
      %dma_wait3A_409 = tpu.memref_squeeze %dma_wait3A_408 : memref<1x1x16x512xi32, #tpu.memory_space<hbm>> -> memref<16x512xi32, #tpu.memory_space<hbm>>
      tpu.wait_dma2 semaphore(%arg11 : memref<!tpu.dma_semaphore, #tpu.memory_space<semaphore_mem>>) src(%dma_wait3A_409 : memref<16x512xi32, #tpu.memory_space<hbm>>) dst(%arg8 : memref<16x512xi32, #tpu.memory_space<vmem>>)
      %ge3A_410 = arith.constant 2 : i32
      %ge3A_411 = arith.cmpi sge, %add3A_399, %ge3A_410 : i32
      %convert_element_type3A_412 = arith.extui %ge3A_411 : i1 to i32
      %cond3A_413 = arith.constant 0 : i32
      %cond3A_414 = arith.cmpi ne, %convert_element_type3A_412, %cond3A_413 : i32
      scf.if %cond3A_414 {
        %sub3A_436 = arith.constant 2 : i32
        %sub3A_437 = arith.subi %add3A_399, %sub3A_436 : i32
        %mul3A_438 = arith.constant 16 : i32
        %mul3A_439 = arith.muli %sub3A_437, %mul3A_438 : i32
        %add3A_440 = arith.addi %mul3A_32, %mul3A_439 : i32
        %dma_wait3A_441 = arith.constant 0 : i32
        %dma_wait3A_442 = arith.constant 0 : i32
        %dma_wait3A_443 = tpu.memref_slice %arg4[%select_n3A, %dma_wait3A_441, %add3A_440, %dma_wait3A_442] : memref<16x3x512x512xf32, #tpu.memory_space<hbm>> -> memref<1x3x16x512xf32, #tpu.memory_space<hbm>>
        %dma_wait3A_444 = tpu.memref_squeeze %dma_wait3A_443 : memref<1x3x16x512xf32, #tpu.memory_space<hbm>> -> memref<3x16x512xf32, #tpu.memory_space<hbm>>
        %dma_wait3A_445 = arith.constant 0 : i32
        %dma_wait3A_446 = arith.constant 0 : i32
        %dma_wait3A_447 = tpu.memref_slice %arg4[%select_n3A, %dma_wait3A_445, %add3A_440, %dma_wait3A_446] : memref<16x3x512x512xf32, #tpu.memory_space<hbm>> -> memref<1x3x16x512xf32, #tpu.memory_space<hbm>>
        %dma_wait3A_448 = tpu.memref_squeeze %dma_wait3A_447 : memref<1x3x16x512xf32, #tpu.memory_space<hbm>> -> memref<3x16x512xf32, #tpu.memory_space<hbm>>
        tpu.wait_dma2 semaphore(%arg13 : memref<!tpu.dma_semaphore, #tpu.memory_space<semaphore_mem>>) src(%arg10 : memref<3x16x512xf32, #tpu.memory_space<vmem>>) dst(%dma_wait3A_448 : memref<3x16x512xf32, #tpu.memory_space<hbm>>)
      } else {
      }
      %parallel_loop3A_415 = arith.constant 0 : i32
      %parallel_loop3A_416 = arith.constant 512 : i32
      %parallel_loop3A_417 = arith.constant 1 : i32
      scf.for %parallel_loop3A_436 = %parallel_loop3A_415 to %parallel_loop3A_416 step %parallel_loop3A_417  : i32 {
        %parallel_loop3A_437 = arith.constant 32 : i32
        %parallel_loop3A_438 = arith.divsi %parallel_loop3A_436, %parallel_loop3A_437 : i32
        %parallel_loop3A_439 = arith.constant 0 : i32
        %parallel_loop3A_440 = arith.cmpi sgt, %parallel_loop3A_436, %parallel_loop3A_439 : i32
        %parallel_loop3A_441 = arith.extui %parallel_loop3A_440 : i1 to i32
        %parallel_loop3A_442 = arith.constant 0 : i32
        %parallel_loop3A_443 = arith.cmpi slt, %parallel_loop3A_436, %parallel_loop3A_442 : i32
        %parallel_loop3A_444 = arith.extui %parallel_loop3A_443 : i1 to i32
        %parallel_loop3A_445 = arith.subi %parallel_loop3A_441, %parallel_loop3A_444 : i32
        %parallel_loop3A_446 = arith.constant 0 : i32
        %parallel_loop3A_447 = arith.cmpi sgt, %parallel_loop3A_437, %parallel_loop3A_446 : i32
        %parallel_loop3A_448 = arith.extui %parallel_loop3A_447 : i1 to i32
        %parallel_loop3A_449 = arith.constant 0 : i32
        %parallel_loop3A_450 = arith.cmpi slt, %parallel_loop3A_437, %parallel_loop3A_449 : i32
        %parallel_loop3A_451 = arith.extui %parallel_loop3A_450 : i1 to i32
        %parallel_loop3A_452 = arith.subi %parallel_loop3A_448, %parallel_loop3A_451 : i32
        %parallel_loop3A_453 = arith.cmpi ne, %parallel_loop3A_445, %parallel_loop3A_452 : i32
        %parallel_loop3A_454 = arith.remsi %parallel_loop3A_436, %parallel_loop3A_437 : i32
        %parallel_loop3A_455 = arith.constant 0 : i32
        %parallel_loop3A_456 = arith.cmpi ne, %parallel_loop3A_454, %parallel_loop3A_455 : i32
        %parallel_loop3A_457 = arith.andi %parallel_loop3A_453, %parallel_loop3A_456 : i1
        %parallel_loop3A_458 = arith.constant 1 : i32
        %parallel_loop3A_459 = arith.subi %parallel_loop3A_438, %parallel_loop3A_458 : i32
        %parallel_loop3A_460 = arith.select %parallel_loop3A_457, %parallel_loop3A_459, %parallel_loop3A_438 : i32
        %parallel_loop3A_461 = arith.constant 32 : i32
        %parallel_loop3A_462 = arith.constant 0 : i32
        %parallel_loop3A_463 = arith.cmpi eq, %parallel_loop3A_461, %parallel_loop3A_462 : i32
        %parallel_loop3A_464 = arith.constant 1 : i32
        %parallel_loop3A_465 = arith.select %parallel_loop3A_463, %parallel_loop3A_464, %parallel_loop3A_461 : i32
        %parallel_loop3A_466 = arith.remsi %parallel_loop3A_436, %parallel_loop3A_465 : i32
        %parallel_loop3A_467 = arith.constant 0 : i32
        %parallel_loop3A_468 = arith.cmpi ne, %parallel_loop3A_466, %parallel_loop3A_467 : i32
        %parallel_loop3A_469 = arith.constant 0 : i32
        %parallel_loop3A_470 = arith.cmpi slt, %parallel_loop3A_466, %parallel_loop3A_469 : i32
        %parallel_loop3A_471 = arith.constant 0 : i32
        %parallel_loop3A_472 = arith.cmpi slt, %parallel_loop3A_465, %parallel_loop3A_471 : i32
        %parallel_loop3A_473 = arith.xori %parallel_loop3A_470, %parallel_loop3A_472 : i1
        %parallel_loop3A_474 = arith.andi %parallel_loop3A_473, %parallel_loop3A_468 : i1
        %parallel_loop3A_475 = arith.addi %parallel_loop3A_466, %parallel_loop3A_465 : i32
        %parallel_loop3A_476 = arith.select %parallel_loop3A_474, %parallel_loop3A_475, %parallel_loop3A_466 : i32
        %parallel_loop3A_477 = arith.constant 16 : i32
        %parallel_loop3A_478 = arith.muli %parallel_loop3A_476, %parallel_loop3A_477 : i32
        %parallel_loop3A_479 = arith.index_cast %parallel_loop3A_460 : i32 to index
        %parallel_loop3A_480 = arith.index_cast %parallel_loop3A_478 : i32 to index
        %parallel_loop3A_481 = tpu.vector_load %arg8[%parallel_loop3A_479, %parallel_loop3A_480] {strides = array<i32>} : memref<16x512xi32, #tpu.memory_space<vmem>>, vector<16xi32>,
        %parallel_loop3A_482 = arith.constant 0 : i32
        %parallel_loop3A_483 = vector.broadcast %parallel_loop3A_482 : i32 to vector<16xi32>
        %parallel_loop3A_484 = arith.maxsi %parallel_loop3A_481, %parallel_loop3A_483 : vector<16xi32>
        %parallel_loop3A_485 = arith.constant 255 : i32
        %parallel_loop3A_486 = vector.broadcast %parallel_loop3A_485 : i32 to vector<16xi32>
        %parallel_loop3A_487 = arith.minsi %parallel_loop3A_484, %parallel_loop3A_486 : vector<16xi32>
        %parallel_loop3A_488 = arith.constant 0 : i32
        %parallel_loop3A_489 = vector.broadcast %parallel_loop3A_488 : i32 to vector<16xi32>
        %parallel_loop3A_490 = arith.addi %parallel_loop3A_487, %parallel_loop3A_489 : vector<16xi32>
        %parallel_loop3A_491 = tpu.vector_load_idx %arg6[%parallel_loop3A_490] : memref<768xf32, #tpu.memory_space<vmem>>[vector<16xi32>], vector<16xf32>,
        %parallel_loop3A_492 = arith.constant 0 : i32
        %parallel_loop3A_493 = arith.index_cast %parallel_loop3A_492 : i32 to index
        %parallel_loop3A_494 = arith.index_cast %parallel_loop3A_460 : i32 to index
        %parallel_loop3A_495 = arith.index_cast %parallel_loop3A_478 : i32 to index
        %parallel_loop3A_496 = tpu.vector_load %arg10[%parallel_loop3A_493, %parallel_loop3A_494, %parallel_loop3A_495] {strides = array<i32>} : memref<3x16x512xf32, #tpu.memory_space<vmem>>, vector<16xf32>,
        tpu.vector_store %arg10[%parallel_loop3A_493, %parallel_loop3A_494, %parallel_loop3A_495], %parallel_loop3A_491 {strides = array<i32>} : memref<3x16x512xf32, #tpu.memory_space<vmem>>, vector<16xf32>,
        %parallel_loop3A_497 = arith.constant 256 : i32
        %parallel_loop3A_498 = vector.broadcast %parallel_loop3A_497 : i32 to vector<16xi32>
        %parallel_loop3A_499 = arith.addi %parallel_loop3A_487, %parallel_loop3A_498 : vector<16xi32>
        %parallel_loop3A_500 = tpu.vector_load_idx %arg6[%parallel_loop3A_499] : memref<768xf32, #tpu.memory_space<vmem>>[vector<16xi32>], vector<16xf32>,
        %parallel_loop3A_501 = arith.constant 1 : i32
        %parallel_loop3A_502 = arith.index_cast %parallel_loop3A_501 : i32 to index
        %parallel_loop3A_503 = arith.index_cast %parallel_loop3A_460 : i32 to index
        %parallel_loop3A_504 = arith.index_cast %parallel_loop3A_478 : i32 to index
        %parallel_loop3A_505 = tpu.vector_load %arg10[%parallel_loop3A_502, %parallel_loop3A_503, %parallel_loop3A_504] {strides = array<i32>} : memref<3x16x512xf32, #tpu.memory_space<vmem>>, vector<16xf32>,
        tpu.vector_store %arg10[%parallel_loop3A_502, %parallel_loop3A_503, %parallel_loop3A_504], %parallel_loop3A_500 {strides = array<i32>} : memref<3x16x512xf32, #tpu.memory_space<vmem>>, vector<16xf32>,
        %parallel_loop3A_506 = arith.constant 512 : i32
        %parallel_loop3A_507 = vector.broadcast %parallel_loop3A_506 : i32 to vector<16xi32>
        %parallel_loop3A_508 = arith.addi %parallel_loop3A_487, %parallel_loop3A_507 : vector<16xi32>
        %parallel_loop3A_509 = tpu.vector_load_idx %arg6[%parallel_loop3A_508] : memref<768xf32, #tpu.memory_space<vmem>>[vector<16xi32>], vector<16xf32>,
        %parallel_loop3A_510 = arith.constant 2 : i32
        %parallel_loop3A_511 = arith.index_cast %parallel_loop3A_510 : i32 to index
        %parallel_loop3A_512 = arith.index_cast %parallel_loop3A_460 : i32 to index
        %parallel_loop3A_513 = arith.index_cast %parallel_loop3A_478 : i32 to index
        %parallel_loop3A_514 = tpu.vector_load %arg10[%parallel_loop3A_511, %parallel_loop3A_512, %parallel_loop3A_513] {strides = array<i32>} : memref<3x16x512xf32, #tpu.memory_space<vmem>>, vector<16xf32>,
        tpu.vector_store %arg10[%parallel_loop3A_511, %parallel_loop3A_512, %parallel_loop3A_513], %parallel_loop3A_509 {strides = array<i32>} : memref<3x16x512xf32, #tpu.memory_space<vmem>>, vector<16xf32>,
      } {sc.loop_unroll_factor = 8 : i64, sc.parallel_access}
      %add3A_418 = arith.constant 2 : i32
      %add3A_419 = arith.addi %add3A_399, %add3A_418 : i32
      %lt3A_420 = arith.constant 16 : i32
      %lt3A_421 = arith.cmpi slt, %add3A_419, %lt3A_420 : i32
      %convert_element_type3A_422 = arith.extui %lt3A_421 : i1 to i32
      %cond3A_423 = arith.constant 0 : i32
      %cond3A_424 = arith.cmpi ne, %convert_element_type3A_422, %cond3A_423 : i32
      scf.if %cond3A_424 {
        %add3A_436 = arith.constant 2 : i32
        %add3A_437 = arith.addi %add3A_399, %add3A_436 : i32
        %mul3A_438 = arith.constant 16 : i32
        %mul3A_439 = arith.muli %add3A_437, %mul3A_438 : i32
        %add3A_440 = arith.addi %mul3A_32, %mul3A_439 : i32
        %dma_start3A_441 = arith.constant 0 : i32
        %dma_start3A_442 = arith.constant 0 : i32
        %dma_start3A_443 = tpu.memref_slice %arg2[%select_n3A, %dma_start3A_441, %add3A_440, %dma_start3A_442] : memref<16x1x512x512xi32, #tpu.memory_space<hbm>> -> memref<1x1x16x512xi32, #tpu.memory_space<hbm>>
        %dma_start3A_444 = tpu.memref_squeeze %dma_start3A_443 : memref<1x1x16x512xi32, #tpu.memory_space<hbm>> -> memref<16x512xi32, #tpu.memory_space<hbm>>
        %dma_start3A_445 = arith.constant 0 : i32
        %dma_start3A_446 = tpu.memref_slice %arg2[%select_n3A, %dma_start3A_441, %add3A_440, %dma_start3A_445] : memref<16x1x512x512xi32, #tpu.memory_space<hbm>> -> memref<1x1x16x512xi32, #tpu.memory_space<hbm>>
        %dma_start3A_447 = tpu.memref_squeeze %dma_start3A_446 : memref<1x1x16x512xi32, #tpu.memory_space<hbm>> -> memref<16x512xi32, #tpu.memory_space<hbm>>
        tpu.enqueue_dma source(%dma_start3A_447 : memref<16x512xi32, #tpu.memory_space<hbm>>) target(%arg8 : memref<16x512xi32, #tpu.memory_space<vmem>>) target_semaphore(%arg11 : memref<!tpu.dma_semaphore, #tpu.memory_space<semaphore_mem>>)
      } else {
      }
      %mul3A_425 = arith.constant 16 : i32
      %mul3A_426 = arith.muli %add3A_399, %mul3A_425 : i32
      %add3A_427 = arith.addi %mul3A_32, %mul3A_426 : i32
      %dma_start3A_428 = arith.constant 0 : i32
      %dma_start3A_429 = arith.constant 0 : i32
      %dma_start3A_430 = tpu.memref_slice %arg4[%select_n3A, %dma_start3A_428, %add3A_427, %dma_start3A_429] : memref<16x3x512x512xf32, #tpu.memory_space<hbm>> -> memref<1x3x16x512xf32, #tpu.memory_space<hbm>>
      %dma_start3A_431 = tpu.memref_squeeze %dma_start3A_430 : memref<1x3x16x512xf32, #tpu.memory_space<hbm>> -> memref<3x16x512xf32, #tpu.memory_space<hbm>>
      %dma_start3A_432 = arith.constant 0 : i32
      %dma_start3A_433 = arith.constant 0 : i32
      %dma_start3A_434 = tpu.memref_slice %arg4[%select_n3A, %dma_start3A_432, %add3A_427, %dma_start3A_433] : memref<16x3x512x512xf32, #tpu.memory_space<hbm>> -> memref<1x3x16x512xf32, #tpu.memory_space<hbm>>
      %dma_start3A_435 = tpu.memref_squeeze %dma_start3A_434 : memref<1x3x16x512xf32, #tpu.memory_space<hbm>> -> memref<3x16x512xf32, #tpu.memory_space<hbm>>
      tpu.enqueue_dma source(%arg10 : memref<3x16x512xf32, #tpu.memory_space<vmem>>) target(%dma_start3A_435 : memref<3x16x512xf32, #tpu.memory_space<hbm>>) target_semaphore(%arg13 : memref<!tpu.dma_semaphore, #tpu.memory_space<semaphore_mem>>)
    }
    %scan3A_339 = arith.constant 8 : i32
    %add3A_340 = arith.constant 224 : i32
    %add3A_341 = arith.addi %mul3A_32, %add3A_340 : i32
    %dma_wait3A = arith.constant 0 : i32
    %dma_wait3A_342 = arith.constant 0 : i32
    %dma_wait3A_343 = tpu.memref_slice %arg4[%select_n3A, %dma_wait3A, %add3A_341, %dma_wait3A_342] : memref<16x3x512x512xf32, #tpu.memory_space<hbm>> -> memref<1x3x16x512xf32, #tpu.memory_space<hbm>>
    %dma_wait3A_344 = tpu.memref_squeeze %dma_wait3A_343 : memref<1x3x16x512xf32, #tpu.memory_space<hbm>> -> memref<3x16x512xf32, #tpu.memory_space<hbm>>
    %dma_wait3A_345 = arith.constant 0 : i32
    %dma_wait3A_346 = arith.constant 0 : i32
    %dma_wait3A_347 = tpu.memref_slice %arg4[%select_n3A, %dma_wait3A_345, %add3A_341, %dma_wait3A_346] : memref<16x3x512x512xf32, #tpu.memory_space<hbm>> -> memref<1x3x16x512xf32, #tpu.memory_space<hbm>>
    %dma_wait3A_348 = tpu.memref_squeeze %dma_wait3A_347 : memref<1x3x16x512xf32, #tpu.memory_space<hbm>> -> memref<3x16x512xf32, #tpu.memory_space<hbm>>
    tpu.wait_dma2 semaphore(%arg12 : memref<!tpu.dma_semaphore, #tpu.memory_space<semaphore_mem>>) src(%arg9 : memref<3x16x512xf32, #tpu.memory_space<vmem>>) dst(%dma_wait3A_348 : memref<3x16x512xf32, #tpu.memory_space<hbm>>)
    %add3A_349 = arith.constant 240 : i32
    %add3A_350 = arith.addi %mul3A_32, %add3A_349 : i32
    %dma_wait3A_351 = arith.constant 0 : i32
    %dma_wait3A_352 = arith.constant 0 : i32
    %dma_wait3A_353 = tpu.memref_slice %arg4[%select_n3A, %dma_wait3A_351, %add3A_350, %dma_wait3A_352] : memref<16x3x512x512xf32, #tpu.memory_space<hbm>> -> memref<1x3x16x512xf32, #tpu.memory_space<hbm>>
    %dma_wait3A_354 = tpu.memref_squeeze %dma_wait3A_353 : memref<1x3x16x512xf32, #tpu.memory_space<hbm>> -> memref<3x16x512xf32, #tpu.memory_space<hbm>>
    %dma_wait3A_355 = arith.constant 0 : i32
    %dma_wait3A_356 = arith.constant 0 : i32
    %dma_wait3A_357 = tpu.memref_slice %arg4[%select_n3A, %dma_wait3A_355, %add3A_350, %dma_wait3A_356] : memref<16x3x512x512xf32, #tpu.memory_space<hbm>> -> memref<1x3x16x512xf32, #tpu.memory_space<hbm>>
    %dma_wait3A_358 = tpu.memref_squeeze %dma_wait3A_357 : memref<1x3x16x512xf32, #tpu.memory_space<hbm>> -> memref<3x16x512xf32, #tpu.memory_space<hbm>>
    tpu.wait_dma2 semaphore(%arg13 : memref<!tpu.dma_semaphore, #tpu.memory_space<semaphore_mem>>) src(%arg10 : memref<3x16x512xf32, #tpu.memory_space<vmem>>) dst(%dma_wait3A_358 : memref<3x16x512xf32, #tpu.memory_space<hbm>>)
    return
  }
}

</mosaic_0001>

<sc_bundles>
// kernel: kernel.3.cloned.1.call-start
scs
__scs_entry_jumppad:
0x0: {  	(pc) =	sbr.rel $0x88, $3  }
0x1: {  	(tag) =	ssettag $0x0;
	lr =	simm.s32 $0x1  }
0x2: {  	[smem:$0x3F9F] =	sst lr;
	_ =	strace $0xD0000000  }
0x3: {  	_ = 	snop  }
0x4: {  	_ = 	snop  }
0x5: {  	_ = 	snop  }
0x6: {  	_ = 	snop  }
0x7: {  	_ = 	snop  }
__scs_overlays_trampoline_lowered:
0x8: {  	[smem:$0x3FAE] =	sst s0  }
0x9: {  	[smem:$0x3FAF] =	sst s1  }
0xa: {  	[smem:$0x3FB0] =	sst s2  }
0xb: {  	[smem:$0x3FB1] =	sst s3  }
0xc: {  	[smem:$0x3FB2] =	sst s4  }
0xd: {  	[smem:$0x3FB3] =	sst s5  }
0xe: {  	[smem:$0x3FB4] =	sst s6  }
0xf: {  	[smem:$0x3FB5] =	sst s7  }
0x10: {  	[smem:$0x3FB6] =	sst s8  }
0x11: {  	[smem:$0x3FB7] =	sst s9;
	s0 =	simm.s32 @!p0 $0x0  }
0x12: {  	s1 =	sld [smem:$0x3F9D];
	s0 =	simm.s32 @p0 $0x1  }
0x13: {  	[smem:$0x3FB8] =	sst s0;
	s0 =	simm.s32 @!p1 $0x0  }
0x14: {  	s2 =	sld [smem:$0x3F9C];
	s0 =	simm.s32 @p1 $0x1  }
0x15: {  	[smem:$0x3FB9] =	sst s0;
	s0 =	simm.s32 @!p2 $0x0  }
0x16: {  	s3 =	sld [smem:$0x3FDB];
	s0 =	simm.s32 @p2 $0x1  }
0x17: {  	s4 =	simm.s32 $0x1BF5;
	[smem:$0x3FBB] =	sst s0  }
0x18: {  	s0 =	sld [smem:$0x3F9E];
	_ =	swait.ge [sflag:s4], $0x0  }
0x19: {  	s7 =	sld [smem:$0x3F9F]  }
0x1a: {  	s8 =	sadd.s32 $0xFFFFE003, lr  }
0x1b: {  	s9 =	sadd.s32 $0xFFFFFEF7, lr;
	s5 =	simm.s32 $0xFFFFFFFF;
	p2 =	slt.u32 s8, $0xFFFFF086  }
0x1c: {  	p1 =	slt.u32 s9, $0xF7A;
	s5 =	simm.s32 @!p2 $0x0  }
0x1d: {  	s5 =	simm.s32 @p1 $0x1;
	p0 =	seq.s32 s7, s2  }
0x1e: {  	s7 =	smul.u32 @!p0 $0xF7A, s2;
	p2 =	seq.s32 @!p0 s5, $0x0  }
0x1f: {  	s9 =	smul.u32 $0xF7A, s1;
	s8 =	simm.s32 @!p0 $0x1BF5;
	p2 =	por !p2, p0  }
0x20: {  	[sflag:s8] =	ssyncset.s32 @!p0 $0xFFFFF086;
	s6 =	sadd.s32 @!p0 s3, s7;
	s7 =	simm.s32 @!p0 $0x108  }
0x21: {  	s3 =	sadd.s32 s3, s9;
	s6 =	sadd.s32 @!p0 $0x88, s6;
	s7 =	simm.s32 @p2 $0x1082  }
0x22: {  	[simem:s7], [sflag:s8] =	dma.local @!p0 [hbm:s6], $0xF7A  }
0x23: {  	s9 =	sor.u32 $0xD0000000, s2;
	s6 =	simm.s32 $0x108;
	_ =	swait.ge @!p0 [sflag:s8], $0x0  }
0x24: {  	s3 =	sadd.s32 $0x88, s3;
	s6 =	simm.s32 @!p1 $0x1082;
	[sflag:s4] =	ssyncset.s32 $0xFFFFF086  }
0x25: {  	[simem:s6], [sflag:s4] =	dma.local [hbm:s3], $0xF7A  }
0x26: {  	[smem:$0x3F9F] =	sst s1;
	(tag) =	ssettag s2;
	_ =	strace s9  }
0x27: {  	s1 =	sld [smem:$0x3FAF]  }
0x28: {  	s2 =	sld [smem:$0x3FB0]  }
0x29: {  	s4 =	sld [smem:$0x3FB2]  }
0x2a: {  	p0 =	seq.s32 s5, $0x0;
	s5 =	sld [smem:$0x3FB3]  }
0x2b: {  	s6 =	sld [smem:$0x3FB4]  }
0x2c: {  	s7 =	sld [smem:$0x3FB5]  }
0x2d: {  	s3 =	simm.s32 $0x108;
	s8 =	sld [smem:$0x3FB6]  }
0x2e: {  	s3 =	simm.s32 @!p0 $0x1082;
	s9 =	sld [smem:$0x3FB7]  }
0x2f: {  	lr =	sadd.s32 s0, s3;
	s0 =	sld [smem:$0x3FAE]  }
0x30: {  	s3 =	sld [smem:$0x3FB1]  }
0x31: {  	[smem:$0x3FBA] =	sst s10  }
0x32: {  	s10 =	sld [smem:$0x3FB8];
	_ =	sdelay $0x3  }
0x33: {  	p0 =	seq.s32 s10, $0x1;
	s10 =	sld [smem:$0x3FBA];
	_ =	sdelay $0x3  }
0x34: {  	[smem:$0x3FBA] =	sst s10  }
0x35: {  	s10 =	sld [smem:$0x3FB9];
	_ =	sdelay $0x3  }
0x36: {  	p1 =	seq.s32 s10, $0x1;
	s10 =	sld [smem:$0x3FBA];
	_ =	sdelay $0x3  }
0x37: {  	[smem:$0x3FBA] =	sst s10  }
0x38: {  	s10 =	sld [smem:$0x3FBB]  }
0x39: {  	_ = 	snop;
	(pc) =	sbr.ind lr, $3  }
0x3a: {  	_ = 	snop  }
0x3b: {  	_ = 	snop  }
0x3c: {  	p2 =	seq.s32 s10, $0x1;
	s10 =	sld [smem:$0x3FBA]  }
0x3d: {  	_ =	shalt  }
0x3e: {  	_ =	shalt  }
0x3f: {  	_ =	shalt  }
0x40: {  	_ =	shalt  }
0x41: {  	_ =	shalt  }
0x42: {  	_ =	shalt  }
0x43: {  	_ =	shalt  }
0x44: {  	_ =	shalt  }
0x45: {  	_ =	shalt  }
0x46: {  	_ =	shalt  }
0x47: {  	_ =	shalt  }
0x48: {  	_ =	shalt  }
0x49: {  	_ =	shalt  }
0x4a: {  	_ =	shalt  }
0x4b: {  	_ =	shalt  }
0x4c: {  	_ =	shalt  }
0x4d: {  	_ =	shalt  }
0x4e: {  	_ =	shalt  }
0x4f: {  	_ =	shalt  }
0x50: {  	_ =	shalt  }
0x51: {  	_ =	shalt  }
0x52: {  	_ =	shalt  }
0x53: {  	_ =	shalt  }
0x54: {  	_ =	shalt  }
0x55: {  	_ =	shalt  }
0x56: {  	_ =	shalt  }
0x57: {  	_ =	shalt  }
0x58: {  	_ =	shalt  }
0x59: {  	_ =	shalt  }
0x5a: {  	_ =	shalt  }
0x5b: {  	_ =	shalt  }
0x5c: {  	_ =	shalt  }
0x5d: {  	_ =	shalt  }
0x5e: {  	_ =	shalt  }
0x5f: {  	_ =	shalt  }
0x60: {  	_ =	shalt  }
0x61: {  	_ =	shalt  }
0x62: {  	_ =	shalt  }
0x63: {  	_ =	shalt  }
0x64: {  	_ =	shalt  }
0x65: {  	_ =	shalt  }
0x66: {  	_ =	shalt  }
0x67: {  	_ =	shalt  }
0x68: {  	_ =	shalt  }
0x69: {  	_ =	shalt  }
0x6a: {  	_ =	shalt  }
0x6b: {  	_ =	shalt  }
0x6c: {  	_ =	shalt  }
0x6d: {  	_ =	shalt  }
0x6e: {  	_ =	shalt  }
0x6f: {  	_ =	shalt  }
0x70: {  	_ =	shalt  }
0x71: {  	_ =	shalt  }
0x72: {  	_ =	shalt  }
0x73: {  	_ =	shalt  }
0x74: {  	_ =	shalt  }
0x75: {  	_ =	shalt  }
0x76: {  	_ =	shalt  }
0x77: {  	_ =	shalt  }
0x78: {  	_ =	shalt  }
0x79: {  	_ =	shalt  }
0x7a: {  	_ =	shalt  }
0x7b: {  	_ =	shalt  }
0x7c: {  	_ =	shalt  }
0x7d: {  	_ =	shalt  }
0x7e: {  	_ =	shalt  }
0x7f: {  	_ =	shalt  }
0x80: {  	_ =	shalt  }
0x81: {  	_ =	shalt  }
0x82: {  	_ =	shalt  }
0x83: {  	_ =	shalt  }
0x84: {  	_ =	shalt  }
0x85: {  	_ =	shalt  }
0x86: {  	_ =	shalt  }
0x87: {  	_ =	shalt  }
.Lfunc_end0:
.L_simem_size_0:
called_computation_lowered:
.L_overlay_start_0:
0x88: {  	s2 =	sld [smem:$0x3FD9]  }
0x89: {  	s3 =	sld [smem:$0x3FFE];
	_ =	sdelay $0x1  }
0x8a: {  	s1 =	srdreg.scid  }
0x8b: {  	s0 =	sand.u32 $0x1, s1  }
0x8c: {  	s18 =	sshll.u32 s0, $0xA;
	s2 =	sadd.s32 s3, s2  }
0x8d: {  	s2 =	sadd.s32 s2, s18  }
0x8e: {  	[smem:$0x3FC6] =	sst s2  }
0x8f: {  	_ = 	snop  }
0x90: {  	s2 =	sld [smem:$0x3FC9]  }
0x91: {  	s19 =	sld [smem:$0x3FC8]  }
0x92: {  	s4 =	sld [smem:$0x3FD0];
	(tm) =	ssettm $0x1  }
0x93: {  	s5 =	sld [smem:$0x3FFB];
	_ =	sdelay $0x3  }
0x94: {  	_ =	strace s5  }
0x95: {  	s5 =	sld [smem:$0x3FFC];
	_ =	sdelay $0x3  }
0x96: {  	_ =	strace s5  }
0x97: {  	s5 =	sld [smem:$0x3FFD];
	_ =	sdelay $0x3  }
0x98: {  	_ =	strace s5  }
0x99: {  	_ =	strace $0x8FFFFFFF  }
0x9a: {  	s20 =	sld [smem:$0x3FDB];
	_ =	sdelay $0x1  }
0x9b: {  	s6 =	simm.s32 $_scs_section_size  }
0x9c: {  	s7 =	simm.s32 $_size__tile_overlayer_lowered;
	s8 =	simm.s32 $_tile_overlayer_lowered  }
0x9d: {  	s23 =	simm.s32 $0x1BFF;
	s22 =	sshll.u32 s8, $0x1;
	s5 =	sadd.s32 s6, s20  }
0x9e: {  	s9 =	simm.s32 $0x0;
	s21 =	sshll.u32 s7, $0x1;
	s7 =	sadd.s32 s22, s5  }
0x9f: {  	[timem:s9], [sflag:s23] =	dma.local [hbm:s7], s21  }
0xa0: {  	_ =	swait.ge [sflag:s23], s21  }
0xa1: {  	s6 =	ssub.s32 $0x0, s21;
	[sflag:s23] =	ssyncset.done $0x0  }
0xa2: {  	[sflag:s23] =	ssyncadd.s32 s6;
	_ =	sdelay $0x1  }
0xa3: {  	s24 =	simm.s32 $0x1B8B  }
0xa4: {  	_ =	swait.ge [sflag:s24], $0x1  }
0xa5: {  	[sflag:s24] =	ssyncset.done $0x0  }
0xa6: {  	s25 =	simm.s32 $0x1B8E;
	[sflag:s24] =	ssyncadd.s32 $0xFFFFFFFF  }
0xa7: {  	s26 =	simm.s32 $execute0_lowered;
	[smem:$0x3FD2] =	sst s25  }
0xa8: {  	s6 =	sshll.u32 s26, $0x1;
	_ =	strace $0x80000046;
	[dreg:$0x1] =	wrdreg $0xFFFFFFFF  }
0xa9: {  	s28 =	simm.s32 $_size_execute0_lowered;
	s5 =	sadd.s32 s5, s6;
	[dreg:$0x0] =	wrdreg $0x0  }
0xaa: {  	s6 =	sshll.u32 s28, $0x1;
	[dreg:$0x2] =	wrdreg s5  }
0xab: {  	[dreg:$0x3] =	wrdreg s6  }
0xac: {  	[dreg:$0x4] =	wrdreg $0xC0  }
0xad: {  	_ =	task [dreg:s9], $0x5FFFF  }
0xae: {  	[dreg:$0x1] =	wrdreg $0xFFFFFFFF  }
0xaf: {  	[dreg:$0x0] =	wrdreg $0x60  }
0xb0: {  	[dreg:$0x2] =	wrdreg s2  }
0xb1: {  	[dreg:$0x3] =	wrdreg s19  }
0xb2: {  	[dreg:$0x4] =	wrdreg s4  }
0xb3: {  	[dreg:$0x5] =	wrdreg $0x9  }
0xb4: {  	_ =	task.clear_ibuf [dreg:s9], $0x6FFFF;
	_ =	strace $0x90000046  }
0xb5: {  	s29 =	simm.s32 $0x9;
	_ =	strace $0x80000048  }
0xb6: {  	_ =	swait.ge [sflag:s29], $0x1  }
0xb7: {  	[sflag:s29] =	ssyncadd.s32 $0xFFFFFFFF  }
0xb8: {  	_ =	strace $0x90000048  }
0xb9: {  	_ =	sfence  }
0xba: {  	s30 =	sld [smem:$0x0];
	_ =	sdelay $0x2  }
0xbb: {  	s31 =	sshll.u32 s1, $0xD;
	s1 =	sshrl.u32 s1, $0x2  }
0xbc: {  	s3 =	sand.u32 $0x4000, s31;
	s1 =	sadd.s32 s1, s30  }
0xbd: {  	s0 =	sor.u32 s3, s0;
	s1 =	sshll.u32 s1, $0x11  }
0xbe: {  	s0 =	sor.u32 s1, s0  }
0xbf: {  	s0 =	sadd.s32 $0x8F2B, s0  }
0xc0: {  	[sflag:s0] =	ssyncadd.remote.s32 $0x1  }
0xc1: {  	_ =	sfence.sel $0xFFFF  }
0xc2: {  	[dreg:$0x0] =	wrdreg $0xFFFFFFFF;
	(pc) =	sbr.abs _section_cstart, $3  }
0xc3: {  	[dreg:$0x1] =	wrdreg $0xFFFFFFFF  }
0xc4: {  	_ =	task.clear_ibuf [dreg:s9], $0x2FFFF;
	_ =	strace $0x9FFFFFFF  }
0xc5: {  	(tm) =	ssettm $0x7FFFFFFF  }
tec
execute0_lowered:
.L_overlay_start_1:
0x0: {  	(tag) =	ssettag $0x1  }
0x1: {  	s1 =	srdreg.scid  }
0x2: {  	s0 =	stileid.u32;
	s3 =	rddreg [dreg:$0x1];
	s5 =	simm.s32 $0x1  }
0x3: {  	s4 =	rddreg [dreg:$0x2];
	s14 =	simm.s32 $0x2700;
	s15 =	simm.s32 $0x4  }
0x4: {  	s16 =	simm.s32 $0x400;
	s17 =	simm.s32 $0x2000;
	s6 =	sand.u32 $0x1, s1  }
0x5: {  	s18 =	simm.s32 $0x40000;
	s19 =	simm.s32 $0x4700;
	s1 =	sor.u32 s6, s0  }
0x6: {  	s20 =	simm.s32 $0xA700;
	p1 =	seq.s32 s6, $0x1;
	p0 =	seq.s32 s1, $0x0  }
0x7: {  	s21 =	simm.s32 $0x2;
	s22 =	simm.s32 $0x3;
	p0 =	por !p0, !p1  }
0x8: {  	s23 =	simm.s32 $0x0;
	s10 =	sshll.u32 s6, $0x11;
	p0 =	por !p0, !p0  }
0x9: {  	s30 =	ssub.s32 $0x2, s6;
	s1 =	rddreg [dreg:$0x0];
	s5 =	simm.s32 @!p0 $0x0  }
0xa: {  	s9 =	sshrl.u32 s30, $0x1;
	s7 =	ssub.s32 s0, s5;
	s5 =	simm.s32 $0x0  }
0xb: {  	s13 =	ssub.s32 s30, s9;
	s8 =	sshll.u32 s7, $0x12;
	[smem:$0x7FF] =	sst s5  }
0xc: {  	s12 =	smul.u32 $0xC0000, s7;
	s7 =	simm.s32 $0x1;
	s11 =	sor.u32 s10, s8  }
0xd: {  	_ =	strace $0x80000047;
	s31 =	sshrl.u32 s11, $0x3;
	s9 =	sor.u32 $0x4000, s11  }
0xe: {  	s10 =	sor.u32 s10, s12;
	s11 =	sor.u32 $0x6000, s11;
	s6 =	sadd.s32 s1, s31  }
0xf: {  	s12 =	smax.u32 s13, $0x1;
	s13 =	simm.s32 $0x700;
	s8 =	sadd.s32 $0x400, s6  }
.LBB2_1:
0x10: {  	[tilespmem:s13], [sflag:$0x1] =	stream.linear.gather [hbm4b:s6+s5], $0x2000, $0x38;
	[tilespmem:$0x10700] =	vst v63  }
0x11: {  	_ = 	snop  }
0x12: {  	[tilespmem:s14], [sflag:$0x1] =	stream.linear.gather [hbm4b:s8+s5], $0x2000, $0x38;
	[tilespmem:$0x10700] =	vst v63  }
0x13: {  	_ = 	snop  }
0x14: {  	[tilespmem:s5], [sflag:$0x4] =	stream.linear.gather [hbm4b:s3+s5], $0x400, $0x38;
	[tilespmem:$0x10700] =	vst v63  }
0x15: {  	_ =	swait.ge [sflag:s15], $0x400  }
0x16: {  	[sflag:s15] =	ssyncset.done $0x0  }
0x17: {  	[sflag:s15] =	ssyncadd.s32 $0xFFFFFC00  }
0x18: {  	v0 =	vld [tilespmem:$0x0]  }
0x19: {  	v1 =	vld [tilespmem:$0x10]  }
0x1a: {  	v2 =	vld [tilespmem:$0x20]  }
0x1b: {  	v3 =	vld [tilespmem:$0x30]  }
0x1c: {  	v4 =	vld [tilespmem:$0x40]  }
0x1d: {  	v21 =	vld [tilespmem:$0x50];
	[tilespmem:$0x400] =	vst v0  }
0x1e: {  	v22 =	vld [tilespmem:$0x60];
	[tilespmem:$0x410] =	vst v1  }
0x1f: {  	v23 =	vld [tilespmem:$0x70];
	[tilespmem:$0x420] =	vst v2  }
0x20: {  	v24 =	vld [tilespmem:$0x200];
	[tilespmem:$0x430] =	vst v3  }
0x21: {  	v25 =	vld [tilespmem:$0x210];
	[tilespmem:$0x440] =	vst v4  }
0x22: {  	v26 =	vld [tilespmem:$0x220];
	[tilespmem:$0x450] =	vst v21  }
0x23: {  	v27 =	vld [tilespmem:$0x230];
	[tilespmem:$0x460] =	vst v22  }
0x24: {  	v28 =	vld [tilespmem:$0x240];
	[tilespmem:$0x470] =	vst v23  }
0x25: {  	v29 =	vld [tilespmem:$0x250];
	[tilespmem:$0x480] =	vst v24  }
0x26: {  	v30 =	vld [tilespmem:$0x260];
	[tilespmem:$0x490] =	vst v25  }
0x27: {  	v31 =	vld [tilespmem:$0x270];
	[tilespmem:$0x4A0] =	vst v26  }
0x28: {  	v32 =	vld [tilespmem:$0x80];
	[tilespmem:$0x4B0] =	vst v27  }
0x29: {  	v33 =	vld [tilespmem:$0x90];
	[tilespmem:$0x4C0] =	vst v28  }
0x2a: {  	v34 =	vld [tilespmem:$0xA0];
	[tilespmem:$0x4D0] =	vst v29  }
0x2b: {  	v35 =	vld [tilespmem:$0xB0];
	[tilespmem:$0x4E0] =	vst v30  }
0x2c: {  	v36 =	vld [tilespmem:$0xC0];
	[tilespmem:$0x4F0] =	vst v31  }
0x2d: {  	v37 =	vld [tilespmem:$0xD0];
	[tilespmem:$0x500] =	vst v32  }
0x2e: {  	v38 =	vld [tilespmem:$0xE0];
	[tilespmem:$0x510] =	vst v33  }
0x2f: {  	v39 =	vld [tilespmem:$0xF0];
	[tilespmem:$0x520] =	vst v34  }
0x30: {  	v40 =	vld [tilespmem:$0x280];
	[tilespmem:$0x530] =	vst v35  }
0x31: {  	v41 =	vld [tilespmem:$0x290];
	[tilespmem:$0x540] =	vst v36  }
0x32: {  	v42 =	vld [tilespmem:$0x2A0];
	[tilespmem:$0x550] =	vst v37  }
0x33: {  	v43 =	vld [tilespmem:$0x2B0];
	[tilespmem:$0x560] =	vst v38  }
0x34: {  	v44 =	vld [tilespmem:$0x2C0];
	[tilespmem:$0x570] =	vst v39  }
0x35: {  	v45 =	vld [tilespmem:$0x2D0];
	[tilespmem:$0x580] =	vst v40  }
0x36: {  	v46 =	vld [tilespmem:$0x2E0];
	[tilespmem:$0x590] =	vst v41  }
0x37: {  	v47 =	vld [tilespmem:$0x2F0];
	[tilespmem:$0x5A0] =	vst v42  }
0x38: {  	v48 =	vld [tilespmem:$0x100];
	[tilespmem:$0x5B0] =	vst v43  }
0x39: {  	v49 =	vld [tilespmem:$0x110];
	[tilespmem:$0x5C0] =	vst v44  }
0x3a: {  	v50 =	vld [tilespmem:$0x120];
	[tilespmem:$0x5D0] =	vst v45  }
0x3b: {  	v51 =	vld [tilespmem:$0x130];
	[tilespmem:$0x5E0] =	vst v46  }
0x3c: {  	v52 =	vld [tilespmem:$0x140];
	[tilespmem:$0x5F0] =	vst v47  }
0x3d: {  	v53 =	vld [tilespmem:$0x150];
	[tilespmem:$0x600] =	vst v48  }
0x3e: {  	v54 =	vld [tilespmem:$0x160];
	[tilespmem:$0x610] =	vst v49  }
0x3f: {  	v55 =	vld [tilespmem:$0x170];
	[tilespmem:$0x620] =	vst v50  }
0x40: {  	v56 =	vld [tilespmem:$0x300];
	[tilespmem:$0x630] =	vst v51  }
0x41: {  	v57 =	vld [tilespmem:$0x310];
	[tilespmem:$0x640] =	vst v52  }
0x42: {  	v58 =	vld [tilespmem:$0x320];
	[tilespmem:$0x650] =	vst v53  }
0x43: {  	v59 =	vld [tilespmem:$0x330];
	[tilespmem:$0x660] =	vst v54  }
0x44: {  	v60 =	vld [tilespmem:$0x340];
	[tilespmem:$0x670] =	vst v55  }
0x45: {  	v61 =	vld [tilespmem:$0x350];
	[tilespmem:$0x680] =	vst v56  }
0x46: {  	v62 =	vld [tilespmem:$0x360];
	[tilespmem:$0x690] =	vst v57  }
0x47: {  	v63 =	vld [tilespmem:$0x370];
	[tilespmem:$0x6A0] =	vst v58  }
0x48: {  	[tilespmem:$0x6B0] =	vst v59  }
0x49: {  	[tilespmem:$0x6C0] =	vst v60  }
0x4a: {  	[tilespmem:$0x6D0] =	vst v61  }
0x4b: {  	[tilespmem:$0x6E0] =	vst v62  }
0x4c: {  	s24 =	simm.s32 $0x0;
	[tilespmem:$0x6F0] =	vst v63  }
.LBB2_2:
0x4d: {  	_ =	swait.ge [sflag:s7], $0x2000;
	p0 =	seq.s32 s24, $0x0  }
0x4e: {  	s28 =	simm.s32 $0x0;
	s26 =	simm.s32 $0x0;
	[sflag:s7] =	ssyncset.done $0x0  }
0x4f: {  	s30 =	simm.s32 $0x0;
	s25 =	simm.s32 @!p0 $0x2;
	[sflag:s7] =	ssyncadd.s32 $0xFFFFE000  }
0x50: {  	s26 =	sand.u32 $0x1000, s26;
	s29 =	sand.u32 $0xC00, s28;
	_ =	swait.ge @!p0 [sflag:s25], $0x6000  }
0x51: {  	s26 =	sor.u32 s29, s26;
	s29 =	sand.u32 $0x380, s30;
	[sflag:s25] =	ssyncset.done @!p0 $0x0  }
0x52: {  	s26 =	sor.u32 s29, s26;
	[sflag:s25] =	ssyncadd.s32 @!p0 $0xFFFFA000  }
0x53: {  	v0 =	vld [tilespmem:s26+$0x770]  }
0x54: {  	v1 =	vld [tilespmem:s26+$0x700]  }
0x55: {  	v2 =	vld [tilespmem:s26+$0x710]  }
0x56: {  	v3 =	vld [tilespmem:s26+$0x720]  }
0x57: {  	v4 =	vld [tilespmem:s26+$0x730]  }
0x58: {  	v5 =	vld [tilespmem:s26+$0x740];
	vm0 =	vgt.s32 v0, $0x0  }
0x59: {  	v6 =	vld [tilespmem:s26+$0x750];
	vm1 =	vgt.s32 v1, $0x0;
	v0 =	vnsel vm0, $0x0, v0  }
0x5a: {  	v7 =	vld [tilespmem:s26+$0x760];
	vm10 =	vgt.s32 v2, $0x0;
	v1 =	vnsel vm1, $0x0, v1;
	v0 =	vmin.u32 v0, $0xFF  }
0x5b: {  	vm11 =	vgt.s32 v3, $0x0;
	v2 =	vnsel vm10, $0x0, v2;
	v1 =	vmin.u32 v1, $0xFF  }
0x5c: {  	vm12 =	vgt.s32 v4, $0x0;
	v3 =	vnsel vm11, $0x0, v3;
	v2 =	vmin.u32 v2, $0xFF  }
0x5d: {  	vm13 =	vgt.s32 v5, $0x0;
	v4 =	vnsel vm12, $0x0, v4;
	v3 =	vmin.u32 v3, $0xFF  }
0x5e: {  	vm14 =	vgt.s32 v6, $0x0;
	v11 =	vmin.u32 v4, $0xFF;
	v4 =	vnsel vm13, $0x0, v5  }
0x5f: {  	vm15 =	vgt.s32 v7, $0x0;
	v14 =	vmin.u32 v4, $0xFF;
	v4 =	vnsel vm14, $0x0, v6;
	v5 =	vld.idx.msk [tilespmem:v0+s16+$0x0], $0xffff  }
0x60: {  	v15 =	vmin.u32 v4, $0xFF;
	v4 =	vnsel vm15, $0x0, v7;
	v6 =	vld.idx.msk [tilespmem:v1+s16+$0x0], $0xffff  }
0x61: {  	v16 =	vmin.u32 v4, $0xFF;
	v7 =	vld.idx.msk [tilespmem:v2+s16+$0x0], $0xffff  }
0x62: {  	v8 =	vor.u32 $0x100, v0;
	v4 =	vld.idx.msk [tilespmem:v3+s16+$0x0], $0xffff  }
0x63: {  	v9 =	vor.u32 $0x100, v1;
	v10 =	vld.idx.msk [tilespmem:v11+s16+$0x0], $0xffff  }
0x64: {  	v13 =	vor.u32 $0x100, v2;
	v17 =	vld.idx.msk [tilespmem:v14+s16+$0x0], $0xffff  }
0x65: {  	v18 =	vor.u32 $0x100, v3;
	v19 =	vld.idx.msk [tilespmem:v15+s16+$0x0], $0xffff;
	[tilespmem:s26+$0x4770] =	vst v5  }
0x66: {  	v21 =	vor.u32 $0x100, v14;
	v22 =	vld.idx.msk [tilespmem:v16+s16+$0x0], $0xffff;
	[tilespmem:s26+$0x4700] =	vst v6  }
0x67: {  	v5 =	vor.u32 $0x100, v11;
	[tilespmem:s26+$0x4710] =	vst v7;
	v20 =	vld.idx.msk [tilespmem:v8+s16+$0x0], $0xffff  }
0x68: {  	v23 =	vor.u32 $0x200, v0;
	[tilespmem:s26+$0x4720] =	vst v4;
	v12 =	vld.idx.msk [tilespmem:v9+s16+$0x0], $0xffff  }
0x69: {  	[tilespmem:s26+$0x4730] =	vst v10;
	v13 =	vld.idx.msk [tilespmem:v13+s16+$0x0], $0xffff;
	v8 =	vor.u32 $0x100, v15  }
0x6a: {  	v7 =	vor.u32 $0x100, v16;
	v9 =	vld.idx.msk [tilespmem:v18+s16+$0x0], $0xffff;
	[tilespmem:s26+$0x4740] =	vst v17  }
0x6b: {  	v4 =	vor.u32 $0x200, v1;
	v6 =	vor.u32 $0x200, v2;
	v2 =	vor.u32 $0x200, v11;
	[tilespmem:s26+$0x4750] =	vst v19;
	v11 =	vld.idx.msk [tilespmem:v21+s16+$0x0], $0xffff  }
0x6c: {  	v0 =	vor.u32 $0x200, v16;
	v10 =	vld.idx.msk [tilespmem:v5+s16+$0x0], $0xffff;
	[tilespmem:s26+$0x6770] =	vst v20  }
0x6d: {  	s29 =	simm.s32 $0x0;
	s25 =	sshll.u32 s24, $0xE;
	v1 =	vor.u32 $0x200, v15;
	[tilespmem:s26+$0x4760] =	vst v22;
	v5 =	vor.u32 $0x200, v3;
	v3 =	vor.u32 $0x200, v14;
	v14 =	vld.idx.msk [tilespmem:v23+s16+$0x0], $0xffff  }
.LBB2_3:
0x6e: {  	s29 =	sadd.s32 $0x8, s29;
	[tilespmem:s26+$0x6700] =	vst v12;
	v8 =	vld.idx.msk [tilespmem:v8+s16+$0x0], $0xffff  }
0x6f: {  	s28 =	sadd.s32 $0x400, s28;
	s30 =	sshll.u32 s29, $0x4;
	p1 =	slt.u32 s29, $0x1F8;
	[tilespmem:s26+$0x6710] =	vst v13;
	v7 =	vld.idx.msk [tilespmem:v7+s16+$0x0], $0xffff  }
0x70: {  	s31 =	sand.u32 $0xC00, s28;
	s2 =	sshll.u32 s29, $0x2;
	s30 =	sand.u32 $0x1000, s30;
	v4 =	vld.idx.msk [tilespmem:v4+s16+$0x0], $0xffff;
	[tilespmem:s26+$0x6720] =	vst v9  }
0x71: {  	s2 =	sand.u32 $0x380, s2;
	s30 =	sor.u32 s31, s30;
	v6 =	vld.idx.msk [tilespmem:v6+s16+$0x0], $0xffff;
	[tilespmem:s26+$0x6730] =	vst v10  }
0x72: {  	s30 =	sor.u32 s2, s30;
	v5 =	vld.idx.msk [tilespmem:v5+s16+$0x0], $0xffff;
	[tilespmem:s26+$0x6740] =	vst v11  }
0x73: {  	v9 =	vld [tilespmem:s30+$0x770];
	[tilespmem:s26+$0x8770] =	vst v14  }
0x74: {  	v10 =	vld [tilespmem:s30+$0x700];
	[tilespmem:s26+$0x6750] =	vst v8  }
0x75: {  	v8 =	vld [tilespmem:s30+$0x710];
	[tilespmem:s26+$0x6760] =	vst v7  }
0x76: {  	v7 =	vld [tilespmem:s30+$0x720];
	[tilespmem:s26+$0x8700] =	vst v4  }
0x77: {  	v4 =	vld [tilespmem:s30+$0x730];
	[tilespmem:s26+$0x8710] =	vst v6  }
0x78: {  	v6 =	vld [tilespmem:s30+$0x740];
	vm0 =	vgt.s32 v9, $0x0;
	[tilespmem:s26+$0x8720] =	vst v5  }
0x79: {  	vm1 =	vgt.s32 v10, $0x0;
	v5 =	vld [tilespmem:s30+$0x750];
	v9 =	vnsel vm0, $0x0, v9  }
0x7a: {  	v10 =	vnsel vm1, $0x0, v10;
	vm0 =	vgt.s32 v8, $0x0;
	v11 =	vld [tilespmem:s30+$0x760];
	v9 =	vmin.u32 v9, $0xFF  }
0x7b: {  	v10 =	vmin.u32 v10, $0xFF;
	v8 =	vnsel vm0, $0x0, v8;
	vm0 =	vgt.s32 v7, $0x0;
	v2 =	vld.idx.msk [tilespmem:v2+s16+$0x0], $0xffff  }
0x7c: {  	v12 =	vmin.u32 v8, $0xFF;
	v7 =	vnsel vm0, $0x0, v7;
	vm0 =	vgt.s32 v4, $0x0;
	v3 =	vld.idx.msk [tilespmem:v3+s16+$0x0], $0xffff  }
0x7d: {  	v13 =	vmin.u32 v7, $0xFF;
	v4 =	vnsel vm0, $0x0, v4;
	vm0 =	vgt.s32 v6, $0x0;
	v1 =	vld.idx.msk [tilespmem:v1+s16+$0x0], $0xffff  }
0x7e: {  	v14 =	vmin.u32 v4, $0xFF;
	v4 =	vnsel vm0, $0x0, v6;
	vm0 =	vgt.s32 v5, $0x0;
	v0 =	vld.idx.msk [tilespmem:v0+s16+$0x0], $0xffff  }
0x7f: {  	v15 =	vmin.u32 v4, $0xFF;
	v4 =	vnsel vm0, $0x0, v5;
	vm0 =	vgt.s32 v11, $0x0;
	v16 =	vld.idx.msk [tilespmem:v9+s16+$0x0], $0xffff  }
0x80: {  	v18 =	vor.u32 $0x100, v10;
	v17 =	vld.idx.msk [tilespmem:v10+s16+$0x0], $0xffff;
	v19 =	vmin.u32 v4, $0xFF;
	v4 =	vnsel vm0, $0x0, v11  }
0x81: {  	v22 =	vor.u32 $0x100, v9;
	v20 =	vor.u32 $0x100, v12;
	v11 =	vld.idx.msk [tilespmem:v12+s16+$0x0], $0xffff;
	v21 =	vmin.u32 v4, $0xFF;
	[tilespmem:s26+$0x8730] =	vst v2  }
0x82: {  	v24 =	vor.u32 $0x100, v13;
	v25 =	vor.u32 $0x100, v14;
	v26 =	vor.u32 $0x100, v15;
	v23 =	vld.idx.msk [tilespmem:v13+s16+$0x0], $0xffff;
	[tilespmem:s26+$0x8740] =	vst v3  }
0x83: {  	v4 =	vor.u32 $0x200, v10;
	v8 =	vor.u32 $0x100, v19;
	v7 =	vor.u32 $0x100, v21;
	v10 =	vld.idx.msk [tilespmem:v14+s16+$0x0], $0xffff;
	[tilespmem:s26+$0x8750] =	vst v1  }
0x84: {  	v6 =	vor.u32 $0x200, v12;
	v5 =	vor.u32 $0x200, v13;
	v2 =	vor.u32 $0x200, v14;
	v14 =	vld.idx.msk [tilespmem:v15+s16+$0x0], $0xffff;
	[tilespmem:s26+$0x8760] =	vst v0;
	s26 =	smov.u32 s30  }
0x85: {  	v3 =	vor.u32 $0x200, v15;
	v1 =	vor.u32 $0x200, v19;
	v0 =	vor.u32 $0x200, v21;
	v15 =	vld.idx.msk [tilespmem:v19+s16+$0x0], $0xffff;
	[tilespmem:s26+$0x4770] =	vst v16  }
0x86: {  	[tilespmem:s26+$0x4700] =	vst v17;
	v16 =	vld.idx.msk [tilespmem:v22+s16+$0x0], $0xffff  }
0x87: {  	[tilespmem:s26+$0x4710] =	vst v11;
	v17 =	vld.idx.msk [tilespmem:v21+s16+$0x0], $0xffff  }
0x88: {  	v12 =	vld.idx.msk [tilespmem:v18+s16+$0x0], $0xffff;
	[tilespmem:s26+$0x4720] =	vst v23;
	v18 =	vor.u32 $0x200, v9  }
.Ltmp0:
0x89: {  	v13 =	vld.idx.msk [tilespmem:v20+s16+$0x0], $0xffff;
	[tilespmem:s26+$0x4730] =	vst v10;
	(pc) =	sbr.rel @p1 .LBB2_3-.Ltmp0, $4  }
0x8a: {  	v9 =	vld.idx.msk [tilespmem:v24+s16+$0x0], $0xffff;
	[tilespmem:s26+$0x4740] =	vst v14  }
0x8b: {  	v10 =	vld.idx.msk [tilespmem:v25+s16+$0x0], $0xffff;
	[tilespmem:s26+$0x4750] =	vst v15  }
0x8c: {  	v11 =	vld.idx.msk [tilespmem:v26+s16+$0x0], $0xffff;
	[tilespmem:s26+$0x6770] =	vst v16  }
0x8d: {  	[tilespmem:s26+$0x4760] =	vst v17;
	v14 =	vld.idx.msk [tilespmem:v18+s16+$0x0], $0xffff  }
0x8e: {  	_ =	sdelay $0x2  }
0x8f: {  	[tilespmem:s26+$0x6700] =	vst v12  }
0x90: {  	v8 =	vld.idx.msk [tilespmem:v8+s16+$0x0], $0xffff;
	[tilespmem:s26+$0x6710] =	vst v13  }
0x91: {  	v7 =	vld.idx.msk [tilespmem:v7+s16+$0x0], $0xffff;
	[tilespmem:s26+$0x6720] =	vst v9  }
0x92: {  	v4 =	vld.idx.msk [tilespmem:v4+s16+$0x0], $0xffff;
	[tilespmem:s26+$0x6730] =	vst v10  }
0x93: {  	v6 =	vld.idx.msk [tilespmem:v6+s16+$0x0], $0xffff;
	[tilespmem:s26+$0x6740] =	vst v11  }
0x94: {  	v5 =	vld.idx.msk [tilespmem:v5+s16+$0x0], $0xffff;
	[tilespmem:s26+$0x8770] =	vst v14  }
0x95: {  	v2 =	vld.idx.msk [tilespmem:v2+s16+$0x0], $0xffff;
	[tilespmem:s26+$0x6750] =	vst v8  }
0x96: {  	v3 =	vld.idx.msk [tilespmem:v3+s16+$0x0], $0xffff;
	[tilespmem:s26+$0x6760] =	vst v7  }
0x97: {  	[tilespmem:s26+$0x8700] =	vst v4;
	v1 =	vld.idx.msk [tilespmem:v1+s16+$0x0], $0xffff  }
0x98: {  	[tilespmem:s26+$0x8710] =	vst v6;
	v0 =	vld.idx.msk [tilespmem:v0+s16+$0x0], $0xffff  }
0x99: {  	[tilespmem:s26+$0x8720] =	vst v5  }
0x9a: {  	p1 =	seq.s32 s24, $0x7;
	[tilespmem:s26+$0x8730] =	vst v2  }
0x9b: {  	s2 =	sadd.s32 @!p1 s25, s9;
	[tilespmem:s26+$0x8740] =	vst v3  }
0x9c: {  	s31 =	sor.u32 s25, s10;
	s2 =	sshrl.u32 @!p1 s2, $0x3;
	[tilespmem:s26+$0x8750] =	vst v1  }
0x9d: {  	s28 =	simm.s32 @!p1 $0x700;
	s2 =	sadd.s32 @!p1 s1, s2;
	[tilespmem:s26+$0x8760] =	vst v0;
	s26 =	simm.s32 @!p1 $0x0  }
0x9e: {  	[tilespmem:s28], [sflag:$0x1] =	stream.linear.gather @!p1 [hbm4b:s2+s26], $0x2000, $0x38;
	[tilespmem:$0x10700] =	vst v63  }
0x9f: {  	s26 =	sshrl.u32 s31, $0x3  }
0xa0: {  	s2 =	sadd.s32 s4, s26  }
0xa1: {  	[hbm4b:s2+s17] =	stream.strided.scatter [tilespmem:s19], [sflag:$0x2], $0x6000, s18, s17, $0x38;
	[tilespmem:$0x10700] =	vst v63  }
0xa2: {  	s29 =	simm.s32 $0x0;
	_ =	swait.ge [sflag:s7], $0x2000  }
0xa3: {  	s30 =	sand.u32 $0xC00, s29;
	[sflag:s7] =	ssyncset.done $0x0  }
0xa4: {  	s28 =	simm.s32 $0x0;
	s2 =	simm.s32 @!p0 $0x3;
	[sflag:s7] =	ssyncadd.s32 $0xFFFFE000  }
0xa5: {  	s31 =	simm.s32 $0x0;
	s28 =	sand.u32 $0x1000, s28;
	_ =	swait.ge @!p0 [sflag:s2], $0x6000  }
0xa6: {  	s28 =	sor.u32 s30, s28;
	s30 =	sand.u32 $0x380, s31;
	[sflag:s2] =	ssyncset.done @!p0 $0x0  }
0xa7: {  	s28 =	sor.u32 s30, s28;
	[sflag:s2] =	ssyncadd.s32 @!p0 $0xFFFFA000  }
0xa8: {  	v0 =	vld [tilespmem:s28+$0x2770]  }
0xa9: {  	v1 =	vld [tilespmem:s28+$0x2700]  }
0xaa: {  	v2 =	vld [tilespmem:s28+$0x2710]  }
0xab: {  	v3 =	vld [tilespmem:s28+$0x2720]  }
0xac: {  	v4 =	vld [tilespmem:s28+$0x2730]  }
0xad: {  	v5 =	vld [tilespmem:s28+$0x2740];
	vm0 =	vgt.s32 v0, $0x0  }
0xae: {  	v6 =	vld [tilespmem:s28+$0x2750];
	vm1 =	vgt.s32 v1, $0x0;
	v0 =	vnsel vm0, $0x0, v0  }
0xaf: {  	v7 =	vld [tilespmem:s28+$0x2760];
	vm10 =	vgt.s32 v2, $0x0;
	v1 =	vnsel vm1, $0x0, v1;
	v0 =	vmin.u32 v0, $0xFF  }
0xb0: {  	vm11 =	vgt.s32 v3, $0x0;
	v2 =	vnsel vm10, $0x0, v2;
	v1 =	vmin.u32 v1, $0xFF  }
0xb1: {  	vm12 =	vgt.s32 v4, $0x0;
	v3 =	vnsel vm11, $0x0, v3;
	v2 =	vmin.u32 v2, $0xFF  }
0xb2: {  	vm13 =	vgt.s32 v5, $0x0;
	v4 =	vnsel vm12, $0x0, v4;
	v3 =	vmin.u32 v3, $0xFF  }
0xb3: {  	vm14 =	vgt.s32 v6, $0x0;
	v11 =	vmin.u32 v4, $0xFF;
	v4 =	vnsel vm13, $0x0, v5  }
0xb4: {  	vm15 =	vgt.s32 v7, $0x0;
	v14 =	vmin.u32 v4, $0xFF;
	v4 =	vnsel vm14, $0x0, v6;
	v5 =	vld.idx.msk [tilespmem:v0+s16+$0x0], $0xffff  }
0xb5: {  	v15 =	vmin.u32 v4, $0xFF;
	v4 =	vnsel vm15, $0x0, v7;
	v6 =	vld.idx.msk [tilespmem:v1+s16+$0x0], $0xffff  }
0xb6: {  	v16 =	vmin.u32 v4, $0xFF;
	v7 =	vld.idx.msk [tilespmem:v2+s16+$0x0], $0xffff  }
0xb7: {  	v8 =	vor.u32 $0x100, v0;
	v4 =	vld.idx.msk [tilespmem:v3+s16+$0x0], $0xffff  }
0xb8: {  	v9 =	vor.u32 $0x100, v1;
	v10 =	vld.idx.msk [tilespmem:v11+s16+$0x0], $0xffff  }
0xb9: {  	v13 =	vor.u32 $0x100, v2;
	v17 =	vld.idx.msk [tilespmem:v14+s16+$0x0], $0xffff  }
0xba: {  	v18 =	vor.u32 $0x100, v3;
	v19 =	vld.idx.msk [tilespmem:v15+s16+$0x0], $0xffff;
	[tilespmem:s28+$0xA770] =	vst v5  }
0xbb: {  	v21 =	vor.u32 $0x100, v14;
	v22 =	vld.idx.msk [tilespmem:v16+s16+$0x0], $0xffff;
	[tilespmem:s28+$0xA700] =	vst v6  }
0xbc: {  	v5 =	vor.u32 $0x100, v11;
	[tilespmem:s28+$0xA710] =	vst v7;
	v20 =	vld.idx.msk [tilespmem:v8+s16+$0x0], $0xffff  }
0xbd: {  	v23 =	vor.u32 $0x200, v0;
	[tilespmem:s28+$0xA720] =	vst v4;
	v12 =	vld.idx.msk [tilespmem:v9+s16+$0x0], $0xffff  }
0xbe: {  	[tilespmem:s28+$0xA730] =	vst v10;
	v13 =	vld.idx.msk [tilespmem:v13+s16+$0x0], $0xffff;
	v8 =	vor.u32 $0x100, v15  }
0xbf: {  	v7 =	vor.u32 $0x100, v16;
	v9 =	vld.idx.msk [tilespmem:v18+s16+$0x0], $0xffff;
	[tilespmem:s28+$0xA740] =	vst v17  }
0xc0: {  	v4 =	vor.u32 $0x200, v1;
	v6 =	vor.u32 $0x200, v2;
	v2 =	vor.u32 $0x200, v11;
	[tilespmem:s28+$0xA750] =	vst v19;
	v11 =	vld.idx.msk [tilespmem:v21+s16+$0x0], $0xffff  }
0xc1: {  	v0 =	vor.u32 $0x200, v16;
	v10 =	vld.idx.msk [tilespmem:v5+s16+$0x0], $0xffff;
	[tilespmem:s28+$0xC770] =	vst v20  }
0xc2: {  	s30 =	simm.s32 $0x0;
	v1 =	vor.u32 $0x200, v15;
	[tilespmem:s28+$0xA760] =	vst v22;
	v5 =	vor.u32 $0x200, v3;
	v3 =	vor.u32 $0x200, v14;
	v14 =	vld.idx.msk [tilespmem:v23+s16+$0x0], $0xffff  }
.LBB2_5:
0xc3: {  	s30 =	sadd.s32 $0x8, s30;
	[tilespmem:s28+$0xC700] =	vst v12;
	v8 =	vld.idx.msk [tilespmem:v8+s16+$0x0], $0xffff  }
0xc4: {  	s29 =	sadd.s32 $0x400, s29;
	s2 =	sshll.u32 s30, $0x4;
	p0 =	slt.u32 s30, $0x1F8;
	[tilespmem:s28+$0xC710] =	vst v13;
	v7 =	vld.idx.msk [tilespmem:v7+s16+$0x0], $0xffff  }
0xc5: {  	s31 =	sand.u32 $0xC00, s29;
	s0 =	sshll.u32 s30, $0x2;
	s2 =	sand.u32 $0x1000, s2;
	v4 =	vld.idx.msk [tilespmem:v4+s16+$0x0], $0xffff;
	[tilespmem:s28+$0xC720] =	vst v9  }
0xc6: {  	s0 =	sand.u32 $0x380, s0;
	s2 =	sor.u32 s31, s2;
	v6 =	vld.idx.msk [tilespmem:v6+s16+$0x0], $0xffff;
	[tilespmem:s28+$0xC730] =	vst v10  }
0xc7: {  	s31 =	sor.u32 s0, s2;
	v5 =	vld.idx.msk [tilespmem:v5+s16+$0x0], $0xffff;
	[tilespmem:s28+$0xC740] =	vst v11  }
0xc8: {  	v9 =	vld [tilespmem:s31+$0x2770];
	[tilespmem:s28+$0xE770] =	vst v14  }
0xc9: {  	v10 =	vld [tilespmem:s31+$0x2700];
	[tilespmem:s28+$0xC750] =	vst v8  }
0xca: {  	v8 =	vld [tilespmem:s31+$0x2710];
	[tilespmem:s28+$0xC760] =	vst v7  }
0xcb: {  	v7 =	vld [tilespmem:s31+$0x2720];
	[tilespmem:s28+$0xE700] =	vst v4  }
0xcc: {  	v4 =	vld [tilespmem:s31+$0x2730];
	[tilespmem:s28+$0xE710] =	vst v6  }
0xcd: {  	v6 =	vld [tilespmem:s31+$0x2740];
	vm0 =	vgt.s32 v9, $0x0;
	[tilespmem:s28+$0xE720] =	vst v5  }
0xce: {  	vm1 =	vgt.s32 v10, $0x0;
	v5 =	vld [tilespmem:s31+$0x2750];
	v9 =	vnsel vm0, $0x0, v9  }
0xcf: {  	v10 =	vnsel vm1, $0x0, v10;
	vm0 =	vgt.s32 v8, $0x0;
	v11 =	vld [tilespmem:s31+$0x2760];
	v9 =	vmin.u32 v9, $0xFF  }
0xd0: {  	v10 =	vmin.u32 v10, $0xFF;
	v8 =	vnsel vm0, $0x0, v8;
	vm0 =	vgt.s32 v7, $0x0;
	v2 =	vld.idx.msk [tilespmem:v2+s16+$0x0], $0xffff  }
0xd1: {  	v12 =	vmin.u32 v8, $0xFF;
	v7 =	vnsel vm0, $0x0, v7;
	vm0 =	vgt.s32 v4, $0x0;
	v3 =	vld.idx.msk [tilespmem:v3+s16+$0x0], $0xffff  }
0xd2: {  	v13 =	vmin.u32 v7, $0xFF;
	v4 =	vnsel vm0, $0x0, v4;
	vm0 =	vgt.s32 v6, $0x0;
	v1 =	vld.idx.msk [tilespmem:v1+s16+$0x0], $0xffff  }
0xd3: {  	v14 =	vmin.u32 v4, $0xFF;
	v4 =	vnsel vm0, $0x0, v6;
	vm0 =	vgt.s32 v5, $0x0;
	v0 =	vld.idx.msk [tilespmem:v0+s16+$0x0], $0xffff  }
0xd4: {  	v15 =	vmin.u32 v4, $0xFF;
	v4 =	vnsel vm0, $0x0, v5;
	vm0 =	vgt.s32 v11, $0x0;
	v16 =	vld.idx.msk [tilespmem:v9+s16+$0x0], $0xffff  }
0xd5: {  	v18 =	vor.u32 $0x100, v10;
	v17 =	vld.idx.msk [tilespmem:v10+s16+$0x0], $0xffff;
	v19 =	vmin.u32 v4, $0xFF;
	v4 =	vnsel vm0, $0x0, v11  }
0xd6: {  	v22 =	vor.u32 $0x100, v9;
	v20 =	vor.u32 $0x100, v12;
	v11 =	vld.idx.msk [tilespmem:v12+s16+$0x0], $0xffff;
	v21 =	vmin.u32 v4, $0xFF;
	[tilespmem:s28+$0xE730] =	vst v2  }
0xd7: {  	v24 =	vor.u32 $0x100, v13;
	v25 =	vor.u32 $0x100, v14;
	v26 =	vor.u32 $0x100, v15;
	v23 =	vld.idx.msk [tilespmem:v13+s16+$0x0], $0xffff;
	[tilespmem:s28+$0xE740] =	vst v3  }
0xd8: {  	v4 =	vor.u32 $0x200, v10;
	v8 =	vor.u32 $0x100, v19;
	v7 =	vor.u32 $0x100, v21;
	v10 =	vld.idx.msk [tilespmem:v14+s16+$0x0], $0xffff;
	[tilespmem:s28+$0xE750] =	vst v1  }
0xd9: {  	v6 =	vor.u32 $0x200, v12;
	v5 =	vor.u32 $0x200, v13;
	v2 =	vor.u32 $0x200, v14;
	v14 =	vld.idx.msk [tilespmem:v15+s16+$0x0], $0xffff;
	[tilespmem:s28+$0xE760] =	vst v0;
	s28 =	smov.u32 s31  }
0xda: {  	v3 =	vor.u32 $0x200, v15;
	v1 =	vor.u32 $0x200, v19;
	v0 =	vor.u32 $0x200, v21;
	v15 =	vld.idx.msk [tilespmem:v19+s16+$0x0], $0xffff;
	[tilespmem:s28+$0xA770] =	vst v16  }
0xdb: {  	[tilespmem:s28+$0xA700] =	vst v17;
	v16 =	vld.idx.msk [tilespmem:v22+s16+$0x0], $0xffff  }
0xdc: {  	[tilespmem:s28+$0xA710] =	vst v11;
	v17 =	vld.idx.msk [tilespmem:v21+s16+$0x0], $0xffff  }
0xdd: {  	v12 =	vld.idx.msk [tilespmem:v18+s16+$0x0], $0xffff;
	[tilespmem:s28+$0xA720] =	vst v23;
	v18 =	vor.u32 $0x200, v9  }
.Ltmp1:
0xde: {  	v13 =	vld.idx.msk [tilespmem:v20+s16+$0x0], $0xffff;
	[tilespmem:s28+$0xA730] =	vst v10;
	(pc) =	sbr.rel @p0 .LBB2_5-.Ltmp1, $4  }
0xdf: {  	v9 =	vld.idx.msk [tilespmem:v24+s16+$0x0], $0xffff;
	[tilespmem:s28+$0xA740] =	vst v14  }
0xe0: {  	v10 =	vld.idx.msk [tilespmem:v25+s16+$0x0], $0xffff;
	[tilespmem:s28+$0xA750] =	vst v15  }
0xe1: {  	v11 =	vld.idx.msk [tilespmem:v26+s16+$0x0], $0xffff;
	[tilespmem:s28+$0xC770] =	vst v16  }
0xe2: {  	[tilespmem:s28+$0xA760] =	vst v17;
	v14 =	vld.idx.msk [tilespmem:v18+s16+$0x0], $0xffff  }
0xe3: {  	_ =	sdelay $0x2  }
0xe4: {  	[tilespmem:s28+$0xC700] =	vst v12  }
0xe5: {  	v8 =	vld.idx.msk [tilespmem:v8+s16+$0x0], $0xffff;
	[tilespmem:s28+$0xC710] =	vst v13  }
0xe6: {  	v7 =	vld.idx.msk [tilespmem:v7+s16+$0x0], $0xffff;
	[tilespmem:s28+$0xC720] =	vst v9  }
0xe7: {  	v4 =	vld.idx.msk [tilespmem:v4+s16+$0x0], $0xffff;
	[tilespmem:s28+$0xC730] =	vst v10  }
0xe8: {  	v6 =	vld.idx.msk [tilespmem:v6+s16+$0x0], $0xffff;
	[tilespmem:s28+$0xC740] =	vst v11  }
0xe9: {  	v5 =	vld.idx.msk [tilespmem:v5+s16+$0x0], $0xffff;
	[tilespmem:s28+$0xE770] =	vst v14  }
0xea: {  	v2 =	vld.idx.msk [tilespmem:v2+s16+$0x0], $0xffff;
	[tilespmem:s28+$0xC750] =	vst v8  }
0xeb: {  	v3 =	vld.idx.msk [tilespmem:v3+s16+$0x0], $0xffff;
	[tilespmem:s28+$0xC760] =	vst v7  }
0xec: {  	[tilespmem:s28+$0xE700] =	vst v4;
	v1 =	vld.idx.msk [tilespmem:v1+s16+$0x0], $0xffff  }
0xed: {  	[tilespmem:s28+$0xE710] =	vst v6;
	v0 =	vld.idx.msk [tilespmem:v0+s16+$0x0], $0xffff  }
0xee: {  	[tilespmem:s28+$0xE720] =	vst v5  }
0xef: {  	s24 =	sadd.s32 $0x1, s24;
	[tilespmem:s28+$0xE730] =	vst v2  }
0xf0: {  	s0 =	sadd.s32 @!p1 s25, s11;
	p0 =	sne.s32 s24, $0x8;
	[tilespmem:s28+$0xE740] =	vst v3  }
.Ltmp2:
0xf1: {  	s2 =	simm.s32 @!p1 $0x0;
	s0 =	sshrl.u32 @!p1 s0, $0x3;
	[tilespmem:s28+$0xE750] =	vst v1;
	(pc) =	sbr.rel @p0 .LBB2_2-.Ltmp2, $4  }
0xf2: {  	s25 =	simm.s32 @!p1 $0x2700;
	s31 =	sadd.s32 s26, s4;
	s0 =	sadd.s32 @!p1 s1, s0;
	[tilespmem:s28+$0xE760] =	vst v0  }
0xf3: {  	[tilespmem:s25], [sflag:$0x1] =	stream.linear.gather @!p1 [hbm4b:s0+s2], $0x2000, $0x38;
	[tilespmem:$0x10700] =	vst v63  }
0xf4: {  	s0 =	sadd.s32 $0x400, s31  }
0xf5: {  	[hbm4b:s0+s17] =	stream.strided.scatter [tilespmem:s20], [sflag:$0x3], $0x6000, s18, s17, $0x38;
	[tilespmem:$0x10700] =	vst v63  }
0xf6: {  	s23 =	sadd.s32 $0x1, s23  }
0xf7: {  	_ =	swait.ge [sflag:s21], $0x6000;
	p0 =	sne.s32 s23, s12  }
.Ltmp3:
0xf8: {  	[sflag:s21] =	ssyncset.done $0x0;
	(pc) =	sbr.rel @p0 .LBB2_1-.Ltmp3, $4  }
0xf9: {  	[sflag:s21] =	ssyncadd.s32 $0xFFFFA000  }
0xfa: {  	_ =	swait.ge [sflag:s22], $0x6000  }
0xfb: {  	[sflag:s22] =	ssyncset.done $0x0  }
0xfc: {  	[sflag:s22] =	ssyncadd.s32 $0xFFFFA000  }
0xfd: {  	_ =	sfence.sel $0x180000  }
0xfe: {  	[bflag:$0x0] =	sbarrier.arrive $0xFFFF  }
0xff: {  	_ =	strace $0x90000047  }
0x100: {  	s0 =	stileid.u32;
	[bflag:$0x2] =	sbarrier.arrive $0xFFFF  }
0x101: {  	p0 =	sne.s32 s0, $0x0;
	s0 =	rddreg [dreg:$0x3]  }
0x102: {  	s0 =	sadd.s32 @!p0 $0x100000, s0  }
0x103: {  	[sflag:s0] =	ssyncadd.tile.s32 @!p0 $0x1;
	_ =	shalt  }
.Lfunc_end2:
_tile_overlayer_lowered:
.L_overlay_start_2:
0x104: {  	(tag) =	ssettag $0x2  }
0x105: {  	s0 =	rddreg [dreg:$0x0];
	s2 =	stileid.u32  }
0x106: {  	s1 =	rddreg [dreg:$0x1];
	p0 =	sne.s32 s2, $0x0  }
0x107: {  	s3 =	rddreg [dreg:$0x2];
	[bflag:$0x3] =	sbarrier.arrive $0xFFFF;
	s2 =	simm.s32 @!p0 $0x1C04  }
0x108: {  	[timem:s3], [sflag:s2] =	dma.local @!p0 [hbm:s0], s1  }
0x109: {  	s0 =	simm.s32 @!p0 $0x4  }
0x10a: {  	_ =	swait.ge @!p0 [sflag:s0], s1  }
0x10b: {  	s1 =	ssub.s32 @!p0 $0x0, s1;
	[sflag:s0] =	ssyncset.done @!p0 $0x0  }
0x10c: {  	[sflag:s0] =	ssyncadd.s32 @!p0 s1  }
0x10d: {  	[bflag:$0x3] =	sbarrier.arrive $0xFFFF  }
0x10e: {  	_ =	shalt  }

</sc_bundles>
